<compile_context>
chip_gen: v7x
topology: tpu7x:2x2x1
jax: 0.10.2.dev20260603
libtpu: 0.0.44.dev20260713+nightly
codegen_flags: <defaults>
</compile_context>

<pallas_src>
import functools

import jax
import jax.numpy as jnp
from jax import lax
from jax.experimental import pallas as pl
from jax.experimental.pallas import tpu as pltpu
from jax.experimental.pallas import tpu_sc as plsc

VOCAB = 100000
EMB = 64
HID = 128
B = 4096
L = 50

NC = 2
NS = 16
NW = NC * NS
ROWS_PER_W = B // NW
RPC = 2
IDX_PER_CHUNK = RPC * L
NCHUNK = ROWS_PER_W // RPC
NBUF = 4
SEG = EMB // 16


def _pool_body(x_hbm, emb_hbm, out_hbm, idx_v, rows_v, out_v, *sems):
    wid = lax.axis_index("s") * NC + lax.axis_index("c")

    pltpu.sync_copy(x_hbm.at[wid], idx_v)

    def start(j, b):
        pltpu.async_copy(emb_hbm.at[idx_v.at[j]], rows_v.at[b], sems[b])

    def wait(b):
        pltpu.make_async_copy(emb_hbm.at[idx_v.at[0]], rows_v.at[b], sems[b]).wait()

    for b in range(NBUF):
        start(b, b)

    inv_l = jnp.float32(1.0 / L)

    @pl.loop(0, NCHUNK, step=NBUF)
    def _outer(g):
        for b in range(NBUF):
            j = g + b
            wait(b)
            for r in range(RPC):
                def inner(l, accs):
                    base = r * L + l
                    return tuple(
                        accs[d] + rows_v[b, base, pl.ds(d * 16, 16)]
                        for d in range(SEG)
                    )
                accs = lax.fori_loop(
                    0, L, inner,
                    tuple(jnp.zeros((16,), jnp.float32) for _ in range(SEG)),
                )
                row = j * RPC + r
                for d in range(SEG):
                    out_v[row, pl.ds(d * 16, 16)] = accs[d] * inv_l
            nxt = j + NBUF

            @pl.when(nxt < NCHUNK)
            def _():
                start(nxt, b)

    pltpu.sync_copy(out_v, out_hbm.at[pl.ds(wid * ROWS_PER_W, ROWS_PER_W)])


@jax.jit
def _pool(x_grouped, emb):
    mesh = plsc.VectorSubcoreMesh(
        core_axis_name="c", subcore_axis_name="s", num_cores=NC, num_subcores=NS
    )
    f = pl.kernel(
        _pool_body,
        out_type=jax.ShapeDtypeStruct((B, EMB), jnp.float32),
        mesh=mesh,
        scratch_types=[
            pltpu.VMEM((NCHUNK, IDX_PER_CHUNK), jnp.int32),
            pltpu.VMEM((NBUF, IDX_PER_CHUNK, EMB), jnp.float32),
            pltpu.VMEM((ROWS_PER_W, EMB), jnp.float32),
        ] + [pltpu.SemaphoreType.DMA] * NBUF,
        compiler_params=pltpu.CompilerParams(use_tc_tiling_on_sc=False),
    )
    return f(x_grouped, emb)


BV = 1024
NVB = (VOCAB + BV - 1) // BV


def _mlp_body(pooled_ref, w1_ref, b1_ref, w2t_ref, b2_ref, out_ref, h_ref):
    @pl.when(pl.program_id(0) == 0)
    def _():
        h = jnp.dot(pooled_ref[...], w1_ref[...],
                    preferred_element_type=jnp.float32)
        h_ref[...] = jnp.maximum(h + b1_ref[...], 0.0)

    out_ref[...] = lax.dot_general(
        w2t_ref[...], h_ref[...],
        (((1,), (1,)), ((), ())),
        preferred_element_type=jnp.float32,
    ) + lax.dot_general(
        b2_ref[...], jnp.ones((1, B), jnp.float32),
        (((0,), (0,)), ((), ())),
        preferred_element_type=jnp.float32,
    )


@jax.jit
def _mlp(pooled, w1, b1, w2t, b2r):
    return pl.pallas_call(
        _mlp_body,
        grid=(NVB,),
        in_specs=[
            pl.BlockSpec((B, EMB), lambda j: (0, 0)),
            pl.BlockSpec((EMB, HID), lambda j: (0, 0)),
            pl.BlockSpec((1, HID), lambda j: (0, 0)),
            pl.BlockSpec((BV, HID), lambda j: (j, 0)),
            pl.BlockSpec((1, BV), lambda j: (0, j)),
        ],
        out_specs=pl.BlockSpec((BV, B), lambda j: (j, 0)),
        out_shape=jax.ShapeDtypeStruct((VOCAB, B), jnp.float32),
        scratch_shapes=[pltpu.VMEM((B, HID), jnp.float32)],
        compiler_params=pltpu.CompilerParams(
            dimension_semantics=("arbitrary",),
            vmem_limit_bytes=60 * 1024 * 1024,
        ),
    )(pooled, w1, b1, w2t, b2r)


def kernel(x, emb, W1, b1, W2, b2):
    x_grouped = x.reshape(NW, NCHUNK, IDX_PER_CHUNK).astype(jnp.int32)
    pooled = _pool(x_grouped, emb)
    logits_t = _mlp(pooled, W1, b1.reshape(1, HID), W2.T,
                    b2.reshape(1, VOCAB))
    return logits_t.T

# --- scband reference (transcript-rebuilt; emitter-appended) ---
"""Pipeline reference for scband-bigram-23819888623720 (READ-ONLY COPY).

The authoritative reference and input builder live on the scoring server;
editing this copy changes nothing except your own understanding.
"""

import jax, jax.numpy as jnp
import numpy as np

VOCAB = 100000
EMB = 64
HID = 128
B = 4096
L = 50

def setup_inputs(seed: int = 0) -> dict:
    key = jax.random.key(seed)
    ks = jax.random.split(key, 6)
    x = jax.random.randint(ks[0], (B, L), 0, VOCAB, dtype=jnp.int64 if jax.config.jax_enable_x64 else jnp.int32)
    emb = jax.random.normal(ks[1], (VOCAB, EMB), dtype=jnp.float32) * 0.02
    W1 = jax.random.normal(ks[2], (EMB, HID), dtype=jnp.float32) * (1.0 / np.sqrt(EMB))
    b1 = jnp.zeros((HID,), dtype=jnp.float32)
    W2 = jax.random.normal(ks[3], (HID, VOCAB), dtype=jnp.float32) * (1.0 / np.sqrt(HID))
    b2 = jnp.zeros((VOCAB,), dtype=jnp.float32)
    return {"x": x, "emb": emb, "W1": W1, "b1": b1, "W2": W2, "b2": b2}

def reference(x, emb, W1, b1, W2, b2):
    # embedding lookup (gather)
    h = jnp.take(emb, x, axis=0)          # [B, L, EMB]
    h = h.mean(axis=1)                    # [B, EMB]
    h = jnp.maximum(h @ W1 + b1, 0.0)     # [B, HID]
    logits = h @ W2 + b2                  # [B, VOCAB]
    return logits

if __name__ == "__main__":
    import jax
    _d = setup_inputs()
    print(jax.jit(kernel)(*tuple(_d.values())))

</pallas_src>

<mosaic_0001>
#map = affine_map<(d0, d1) -> (0, 0, 0)>
#map1 = affine_map<(d0, d1) -> (0, 0)>
module attributes {stable_mosaic.version = 14 : i64} {
  func.func @_pool_body(%arg0: i32, %arg1: i32, %arg2: memref<32x64x100xi32, #tpu.memory_space<hbm>>, %arg3: memref<100000x64xf32, #tpu.memory_space<hbm>>, %arg4: memref<4096x64xf32, #tpu.memory_space<hbm>>, %arg5: memref<64x100xi32, #tpu.memory_space<vmem>>, %arg6: memref<4x100x64xf32, #tpu.memory_space<vmem>>, %arg7: memref<128x64xf32, #tpu.memory_space<vmem>>, %arg8: memref<!tpu.dma_semaphore, #tpu.memory_space<semaphore_mem>>, %arg9: memref<!tpu.dma_semaphore, #tpu.memory_space<semaphore_mem>>, %arg10: memref<!tpu.dma_semaphore, #tpu.memory_space<semaphore_mem>>, %arg11: memref<!tpu.dma_semaphore, #tpu.memory_space<semaphore_mem>>) attributes {dimension_semantics = [#tpu.dimension_semantics<core_parallel>, #tpu.dimension_semantics<subcore_parallel>], iteration_bounds = array<i64: 2, 16>, scalar_prefetch = 0 : i64, scratch_operands = 7 : i64, tpu.core_type = #tpu.core_type<sc_vector_subcore>, window_params = [{transform_indices = #map}, {transform_indices = #map1}, {transform_indices = #map1}]} {
    %mul3A = arith.constant 2 : i32
    %mul3A_0 = arith.muli %arg1, %mul3A : i32
    %add3A = arith.addi %mul3A_0, %arg0 : i32
    "tpu.region"() ({
      %run_scoped3A = tpu.sem_alloc : memref<!tpu.dma_semaphore, #tpu.memory_space<semaphore_mem>>
      %dma_start3A_55 = arith.constant 0 : i32
      %dma_start3A_56 = arith.constant 0 : i32
      %dma_start3A_57 = tpu.memref_slice %arg2[%add3A, %dma_start3A_55, %dma_start3A_56] : memref<32x64x100xi32, #tpu.memory_space<hbm>> -> memref<1x64x100xi32, #tpu.memory_space<hbm>>
      %dma_start3A_58 = tpu.memref_squeeze %dma_start3A_57 : memref<1x64x100xi32, #tpu.memory_space<hbm>> -> memref<64x100xi32, #tpu.memory_space<hbm>>
      %dma_start3A_59 = arith.constant 0 : i32
      %dma_start3A_60 = arith.constant 0 : i32
      %dma_start3A_61 = tpu.memref_slice %arg2[%add3A, %dma_start3A_59, %dma_start3A_60] : memref<32x64x100xi32, #tpu.memory_space<hbm>> -> memref<1x64x100xi32, #tpu.memory_space<hbm>>
      %dma_start3A_62 = tpu.memref_squeeze %dma_start3A_61 : memref<1x64x100xi32, #tpu.memory_space<hbm>> -> memref<64x100xi32, #tpu.memory_space<hbm>>
      tpu.enqueue_dma source(%dma_start3A_62 : memref<64x100xi32, #tpu.memory_space<hbm>>) target(%arg5 : memref<64x100xi32, #tpu.memory_space<vmem>>) target_semaphore(%run_scoped3A : memref<!tpu.dma_semaphore, #tpu.memory_space<semaphore_mem>>)
      %dma_wait3A = arith.constant 0 : i32
      %dma_wait3A_63 = arith.constant 0 : i32
      %dma_wait3A_64 = tpu.memref_slice %arg2[%add3A, %dma_wait3A, %dma_wait3A_63] : memref<32x64x100xi32, #tpu.memory_space<hbm>> -> memref<1x64x100xi32, #tpu.memory_space<hbm>>
      %dma_wait3A_65 = tpu.memref_squeeze %dma_wait3A_64 : memref<1x64x100xi32, #tpu.memory_space<hbm>> -> memref<64x100xi32, #tpu.memory_space<hbm>>
      %dma_wait3A_66 = arith.constant 0 : i32
      %dma_wait3A_67 = arith.constant 0 : i32
      %dma_wait3A_68 = tpu.memref_slice %arg2[%add3A, %dma_wait3A_66, %dma_wait3A_67] : memref<32x64x100xi32, #tpu.memory_space<hbm>> -> memref<1x64x100xi32, #tpu.memory_space<hbm>>
      %dma_wait3A_69 = tpu.memref_squeeze %dma_wait3A_68 : memref<1x64x100xi32, #tpu.memory_space<hbm>> -> memref<64x100xi32, #tpu.memory_space<hbm>>
      tpu.wait_dma2 semaphore(%run_scoped3A : memref<!tpu.dma_semaphore, #tpu.memory_space<semaphore_mem>>) src(%dma_wait3A_69 : memref<64x100xi32, #tpu.memory_space<hbm>>) dst(%arg5 : memref<64x100xi32, #tpu.memory_space<vmem>>)
      tpu.yield
    }) : () -> ()
    %dma_start3A = arith.constant 0 : i32
    %dma_start3A_1 = arith.constant 0 : i32
    %dma_start3A_2 = arith.constant 0 : i32
    %dma_start3A_3 = arith.constant 0 : i32
    %dma_start3A_4 = tpu.memref_slice %arg6[%dma_start3A_1, %dma_start3A_2, %dma_start3A_3] : memref<4x100x64xf32, #tpu.memory_space<vmem>> -> memref<1x100x64xf32, #tpu.memory_space<vmem>>
    %dma_start3A_5 = tpu.memref_squeeze %dma_start3A_4 : memref<1x100x64xf32, #tpu.memory_space<vmem>> -> memref<100x64xf32, #tpu.memory_space<vmem>>
    %dma_start3A_6 = arith.constant 0 : i32
    %dma_start3A_7 = tpu.memref_slice %arg5[%dma_start3A, %dma_start3A_6] : memref<64x100xi32, #tpu.memory_space<vmem>> -> memref<1x100xi32, #tpu.memory_space<vmem>>
    %dma_start3A_8 = tpu.memref_squeeze %dma_start3A_7 : memref<1x100xi32, #tpu.memory_space<vmem>> -> memref<100xi32, #tpu.memory_space<vmem>>
    %dma_start3A_9 = arith.constant 0 : i32
    %dma_start3A_10 = arith.constant 0 : i32
    %dma_start3A_11 = tpu.memref_slice %arg3[%dma_start3A_9, %dma_start3A_10] : memref<100000x64xf32, #tpu.memory_space<hbm>> -> memref<100000x64xf32, #tpu.memory_space<hbm>>
    tpu.enqueue_indirect_dma source(%dma_start3A_11 : memref<100000x64xf32, #tpu.memory_space<hbm>>) target(%dma_start3A_5 : memref<100x64xf32, #tpu.memory_space<vmem>>) offsets(%dma_start3A_8 : memref<100xi32, #tpu.memory_space<vmem>>) semaphore(%arg8 : memref<!tpu.dma_semaphore, #tpu.memory_space<semaphore_mem>>)
    %dma_start3A_12 = arith.constant 1 : i32
    %dma_start3A_13 = arith.constant 1 : i32
    %dma_start3A_14 = arith.constant 0 : i32
    %dma_start3A_15 = arith.constant 0 : i32
    %dma_start3A_16 = tpu.memref_slice %arg6[%dma_start3A_13, %dma_start3A_14, %dma_start3A_15] : memref<4x100x64xf32, #tpu.memory_space<vmem>> -> memref<1x100x64xf32, #tpu.memory_space<vmem>>
    %dma_start3A_17 = tpu.memref_squeeze %dma_start3A_16 : memref<1x100x64xf32, #tpu.memory_space<vmem>> -> memref<100x64xf32, #tpu.memory_space<vmem>>
    %dma_start3A_18 = arith.constant 0 : i32
    %dma_start3A_19 = tpu.memref_slice %arg5[%dma_start3A_12, %dma_start3A_18] : memref<64x100xi32, #tpu.memory_space<vmem>> -> memref<1x100xi32, #tpu.memory_space<vmem>>
    %dma_start3A_20 = tpu.memref_squeeze %dma_start3A_19 : memref<1x100xi32, #tpu.memory_space<vmem>> -> memref<100xi32, #tpu.memory_space<vmem>>
    %dma_start3A_21 = arith.constant 0 : i32
    %dma_start3A_22 = arith.constant 0 : i32
    %dma_start3A_23 = tpu.memref_slice %arg3[%dma_start3A_21, %dma_start3A_22] : memref<100000x64xf32, #tpu.memory_space<hbm>> -> memref<100000x64xf32, #tpu.memory_space<hbm>>
    tpu.enqueue_indirect_dma source(%dma_start3A_23 : memref<100000x64xf32, #tpu.memory_space<hbm>>) target(%dma_start3A_17 : memref<100x64xf32, #tpu.memory_space<vmem>>) offsets(%dma_start3A_20 : memref<100xi32, #tpu.memory_space<vmem>>) semaphore(%arg9 : memref<!tpu.dma_semaphore, #tpu.memory_space<semaphore_mem>>)
    %dma_start3A_24 = arith.constant 2 : i32
    %dma_start3A_25 = arith.constant 2 : i32
    %dma_start3A_26 = arith.constant 0 : i32
    %dma_start3A_27 = arith.constant 0 : i32
    %dma_start3A_28 = tpu.memref_slice %arg6[%dma_start3A_25, %dma_start3A_26, %dma_start3A_27] : memref<4x100x64xf32, #tpu.memory_space<vmem>> -> memref<1x100x64xf32, #tpu.memory_space<vmem>>
    %dma_start3A_29 = tpu.memref_squeeze %dma_start3A_28 : memref<1x100x64xf32, #tpu.memory_space<vmem>> -> memref<100x64xf32, #tpu.memory_space<vmem>>
    %dma_start3A_30 = arith.constant 0 : i32
    %dma_start3A_31 = tpu.memref_slice %arg5[%dma_start3A_24, %dma_start3A_30] : memref<64x100xi32, #tpu.memory_space<vmem>> -> memref<1x100xi32, #tpu.memory_space<vmem>>
    %dma_start3A_32 = tpu.memref_squeeze %dma_start3A_31 : memref<1x100xi32, #tpu.memory_space<vmem>> -> memref<100xi32, #tpu.memory_space<vmem>>
    %dma_start3A_33 = arith.constant 0 : i32
    %dma_start3A_34 = arith.constant 0 : i32
    %dma_start3A_35 = tpu.memref_slice %arg3[%dma_start3A_33, %dma_start3A_34] : memref<100000x64xf32, #tpu.memory_space<hbm>> -> memref<100000x64xf32, #tpu.memory_space<hbm>>
    tpu.enqueue_indirect_dma source(%dma_start3A_35 : memref<100000x64xf32, #tpu.memory_space<hbm>>) target(%dma_start3A_29 : memref<100x64xf32, #tpu.memory_space<vmem>>) offsets(%dma_start3A_32 : memref<100xi32, #tpu.memory_space<vmem>>) semaphore(%arg10 : memref<!tpu.dma_semaphore, #tpu.memory_space<semaphore_mem>>)
    %dma_start3A_36 = arith.constant 3 : i32
    %dma_start3A_37 = arith.constant 3 : i32
    %dma_start3A_38 = arith.constant 0 : i32
    %dma_start3A_39 = arith.constant 0 : i32
    %dma_start3A_40 = tpu.memref_slice %arg6[%dma_start3A_37, %dma_start3A_38, %dma_start3A_39] : memref<4x100x64xf32, #tpu.memory_space<vmem>> -> memref<1x100x64xf32, #tpu.memory_space<vmem>>
    %dma_start3A_41 = tpu.memref_squeeze %dma_start3A_40 : memref<1x100x64xf32, #tpu.memory_space<vmem>> -> memref<100x64xf32, #tpu.memory_space<vmem>>
    %dma_start3A_42 = arith.constant 0 : i32
    %dma_start3A_43 = tpu.memref_slice %arg5[%dma_start3A_36, %dma_start3A_42] : memref<64x100xi32, #tpu.memory_space<vmem>> -> memref<1x100xi32, #tpu.memory_space<vmem>>
    %dma_start3A_44 = tpu.memref_squeeze %dma_start3A_43 : memref<1x100xi32, #tpu.memory_space<vmem>> -> memref<100xi32, #tpu.memory_space<vmem>>
    %dma_start3A_45 = arith.constant 0 : i32
    %dma_start3A_46 = arith.constant 0 : i32
    %dma_start3A_47 = tpu.memref_slice %arg3[%dma_start3A_45, %dma_start3A_46] : memref<100000x64xf32, #tpu.memory_space<hbm>> -> memref<100000x64xf32, #tpu.memory_space<hbm>>
    tpu.enqueue_indirect_dma source(%dma_start3A_47 : memref<100000x64xf32, #tpu.memory_space<hbm>>) target(%dma_start3A_41 : memref<100x64xf32, #tpu.memory_space<vmem>>) offsets(%dma_start3A_44 : memref<100xi32, #tpu.memory_space<vmem>>) semaphore(%arg11 : memref<!tpu.dma_semaphore, #tpu.memory_space<semaphore_mem>>)
    %scan3A = arith.constant 2.000000e-02 : f32
    %scan3A_48 = arith.constant 0 : i32
    %scan3A_49 = arith.constant 16 : i32
    %scan3A_50 = arith.addi %scan3A_48, %scan3A_49 : i32
    %scan3A_51 = arith.constant 1 : i32
    scf.for %scan3A_55 = %scan3A_48 to %scan3A_50 step %scan3A_51  : i32 {
      %mul3A_56 = arith.constant 4 : i32
      %mul3A_57 = arith.muli %scan3A_55, %mul3A_56 : i32
      %add3A_58 = arith.constant 0 : i32
      %add3A_59 = arith.addi %add3A_58, %mul3A_57 : i32
      %add3A_60 = arith.constant 0 : i32
      %add3A_61 = arith.addi %add3A_59, %add3A_60 : i32
      %dma_wait3A = arith.constant 0 : i32
      %dma_wait3A_62 = arith.constant 0 : i32
      %dma_wait3A_63 = arith.constant 0 : i32
      %dma_wait3A_64 = arith.constant 0 : i32
      %dma_wait3A_65 = tpu.memref_slice %arg6[%dma_wait3A_62, %dma_wait3A_63, %dma_wait3A_64] : memref<4x100x64xf32, #tpu.memory_space<vmem>> -> memref<1x100x64xf32, #tpu.memory_space<vmem>>
      %dma_wait3A_66 = tpu.memref_squeeze %dma_wait3A_65 : memref<1x100x64xf32, #tpu.memory_space<vmem>> -> memref<100x64xf32, #tpu.memory_space<vmem>>
      %dma_wait3A_67 = arith.constant 0 : i32
      %dma_wait3A_68 = tpu.memref_slice %arg5[%dma_wait3A, %dma_wait3A_67] : memref<64x100xi32, #tpu.memory_space<vmem>> -> memref<1x100xi32, #tpu.memory_space<vmem>>
      %dma_wait3A_69 = tpu.memref_squeeze %dma_wait3A_68 : memref<1x100xi32, #tpu.memory_space<vmem>> -> memref<100xi32, #tpu.memory_space<vmem>>
      %dma_wait3A_70 = arith.constant 0 : i32
      %dma_wait3A_71 = arith.constant 0 : i32
      %dma_wait3A_72 = tpu.memref_slice %arg3[%dma_wait3A_70, %dma_wait3A_71] : memref<100000x64xf32, #tpu.memory_space<hbm>> -> memref<100000x64xf32, #tpu.memory_space<hbm>>
      tpu.wait_indirect_dma semaphore(%arg8 : memref<!tpu.dma_semaphore, #tpu.memory_space<semaphore_mem>>) src(%dma_wait3A_72 : memref<100000x64xf32, #tpu.memory_space<hbm>>) dst(%dma_wait3A_66 : memref<100x64xf32, #tpu.memory_space<vmem>>)
      %broadcast_in_dim3A = arith.constant 0.000000e+00 : f32
      %broadcast_in_dim3A_73 = vector.broadcast %broadcast_in_dim3A : f32 to vector<16xf32>
      %broadcast_in_dim3A_74 = arith.constant 0.000000e+00 : f32
      %broadcast_in_dim3A_75 = vector.broadcast %broadcast_in_dim3A_74 : f32 to vector<16xf32>
      %broadcast_in_dim3A_76 = arith.constant 0.000000e+00 : f32
      %broadcast_in_dim3A_77 = vector.broadcast %broadcast_in_dim3A_76 : f32 to vector<16xf32>
      %broadcast_in_dim3A_78 = arith.constant 0.000000e+00 : f32
      %broadcast_in_dim3A_79 = vector.broadcast %broadcast_in_dim3A_78 : f32 to vector<16xf32>
      %scan3A_80 = arith.constant 0 : i32
      %scan3A_81 = arith.constant 50 : i32
      %scan3A_82 = arith.addi %scan3A_80, %scan3A_81 : i32
      %scan3A_83 = arith.constant 1 : i32
      %scan3A_84:4 = scf.for %scan3A_506 = %scan3A_80 to %scan3A_82 step %scan3A_83 iter_args(%scan3A_507 = %broadcast_in_dim3A_73, %scan3A_508 = %broadcast_in_dim3A_75, %scan3A_509 = %broadcast_in_dim3A_77, %scan3A_510 = %broadcast_in_dim3A_79) -> (vector<16xf32>, vector<16xf32>, vector<16xf32>, vector<16xf32>)  : i32 {
        %add3A_511 = arith.constant 0 : i32
        %add3A_512 = arith.addi %add3A_511, %scan3A_506 : i32
        %get3A = arith.constant 0 : i32
        %get3A_513 = arith.index_cast %get3A : i32 to index
        %get3A_514 = arith.index_cast %add3A_512 : i32 to index
        %get3A_515 = arith.constant 0 : index
        %get3A_516 = tpu.vector_load %arg6[%get3A_513, %get3A_514, %get3A_515] {strides = array<i32>} : memref<4x100x64xf32, #tpu.memory_space<vmem>>, vector<1x1x16xf32>,
        %get3A_517 = vector.shape_cast %get3A_516 : vector<1x1x16xf32> to vector<16xf32>
        %add3A_518 = arith.addf %scan3A_507, %get3A_517 : vector<16xf32>
        %get3A_519 = arith.constant 0 : i32
        %get3A_520 = arith.index_cast %get3A_519 : i32 to index
        %get3A_521 = arith.index_cast %add3A_512 : i32 to index
        %get3A_522 = arith.constant 16 : index
        %get3A_523 = tpu.vector_load %arg6[%get3A_520, %get3A_521, %get3A_522] {strides = array<i32>} : memref<4x100x64xf32, #tpu.memory_space<vmem>>, vector<1x1x16xf32>,
        %get3A_524 = vector.shape_cast %get3A_523 : vector<1x1x16xf32> to vector<16xf32>
        %add3A_525 = arith.addf %scan3A_508, %get3A_524 : vector<16xf32>
        %get3A_526 = arith.constant 0 : i32
        %get3A_527 = arith.index_cast %get3A_526 : i32 to index
        %get3A_528 = arith.index_cast %add3A_512 : i32 to index
        %get3A_529 = arith.constant 32 : index
        %get3A_530 = tpu.vector_load %arg6[%get3A_527, %get3A_528, %get3A_529] {strides = array<i32>} : memref<4x100x64xf32, #tpu.memory_space<vmem>>, vector<1x1x16xf32>,
        %get3A_531 = vector.shape_cast %get3A_530 : vector<1x1x16xf32> to vector<16xf32>
        %add3A_532 = arith.addf %scan3A_509, %get3A_531 : vector<16xf32>
        %get3A_533 = arith.constant 0 : i32
        %get3A_534 = arith.index_cast %get3A_533 : i32 to index
        %get3A_535 = arith.index_cast %add3A_512 : i32 to index
        %get3A_536 = arith.constant 48 : index
        %get3A_537 = tpu.vector_load %arg6[%get3A_534, %get3A_535, %get3A_536] {strides = array<i32>} : memref<4x100x64xf32, #tpu.memory_space<vmem>>, vector<1x1x16xf32>,
        %get3A_538 = vector.shape_cast %get3A_537 : vector<1x1x16xf32> to vector<16xf32>
        %add3A_539 = arith.addf %scan3A_510, %get3A_538 : vector<16xf32>
        scf.yield %add3A_518, %add3A_525, %add3A_532, %add3A_539 : vector<16xf32>, vector<16xf32>, vector<16xf32>, vector<16xf32>
      }
      %scan3A_85 = arith.constant 50 : i32
      %mul3A_86 = arith.constant 2 : i32
      %mul3A_87 = arith.muli %add3A_61, %mul3A_86 : i32
      %add3A_88 = arith.constant 0 : i32
      %add3A_89 = arith.addi %mul3A_87, %add3A_88 : i32
      %mul3A_90 = vector.broadcast %scan3A : f32 to vector<16xf32>
      %mul3A_91 = arith.mulf %scan3A_84#0, %mul3A_90 : vector<16xf32>
      %swap3A = arith.index_cast %add3A_89 : i32 to index
      %swap3A_92 = arith.constant 0 : index
      %swap3A_93 = tpu.vector_load %arg7[%swap3A, %swap3A_92] {strides = array<i32>} : memref<128x64xf32, #tpu.memory_space<vmem>>, vector<1x16xf32>,
      %swap3A_94 = vector.shape_cast %swap3A_93 : vector<1x16xf32> to vector<16xf32>
      %swap3A_95 = vector.shape_cast %mul3A_91 : vector<16xf32> to vector<1x16xf32>
      tpu.vector_store %arg7[%swap3A, %swap3A_92], %swap3A_95 {strides = array<i32>} : memref<128x64xf32, #tpu.memory_space<vmem>>, vector<1x16xf32>,
      %mul3A_96 = vector.broadcast %scan3A : f32 to vector<16xf32>
      %mul3A_97 = arith.mulf %scan3A_84#1, %mul3A_96 : vector<16xf32>
      %swap3A_98 = arith.index_cast %add3A_89 : i32 to index
      %swap3A_99 = arith.constant 16 : index
      %swap3A_100 = tpu.vector_load %arg7[%swap3A_98, %swap3A_99] {strides = array<i32>} : memref<128x64xf32, #tpu.memory_space<vmem>>, vector<1x16xf32>,
      %swap3A_101 = vector.shape_cast %swap3A_100 : vector<1x16xf32> to vector<16xf32>
      %swap3A_102 = vector.shape_cast %mul3A_97 : vector<16xf32> to vector<1x16xf32>
      tpu.vector_store %arg7[%swap3A_98, %swap3A_99], %swap3A_102 {strides = array<i32>} : memref<128x64xf32, #tpu.memory_space<vmem>>, vector<1x16xf32>,
      %mul3A_103 = vector.broadcast %scan3A : f32 to vector<16xf32>
      %mul3A_104 = arith.mulf %scan3A_84#2, %mul3A_103 : vector<16xf32>
      %swap3A_105 = arith.index_cast %add3A_89 : i32 to index
      %swap3A_106 = arith.constant 32 : index
      %swap3A_107 = tpu.vector_load %arg7[%swap3A_105, %swap3A_106] {strides = array<i32>} : memref<128x64xf32, #tpu.memory_space<vmem>>, vector<1x16xf32>,
      %swap3A_108 = vector.shape_cast %swap3A_107 : vector<1x16xf32> to vector<16xf32>
      %swap3A_109 = vector.shape_cast %mul3A_104 : vector<16xf32> to vector<1x16xf32>
      tpu.vector_store %arg7[%swap3A_105, %swap3A_106], %swap3A_109 {strides = array<i32>} : memref<128x64xf32, #tpu.memory_space<vmem>>, vector<1x16xf32>,
      %mul3A_110 = vector.broadcast %scan3A : f32 to vector<16xf32>
      %mul3A_111 = arith.mulf %scan3A_84#3, %mul3A_110 : vector<16xf32>
      %swap3A_112 = arith.index_cast %add3A_89 : i32 to index
      %swap3A_113 = arith.constant 48 : index
      %swap3A_114 = tpu.vector_load %arg7[%swap3A_112, %swap3A_113] {strides = array<i32>} : memref<128x64xf32, #tpu.memory_space<vmem>>, vector<1x16xf32>,
      %swap3A_115 = vector.shape_cast %swap3A_114 : vector<1x16xf32> to vector<16xf32>
      %swap3A_116 = vector.shape_cast %mul3A_111 : vector<16xf32> to vector<1x16xf32>
      tpu.vector_store %arg7[%swap3A_112, %swap3A_113], %swap3A_116 {strides = array<i32>} : memref<128x64xf32, #tpu.memory_space<vmem>>, vector<1x16xf32>,
      %broadcast_in_dim3A_117 = arith.constant 0.000000e+00 : f32
      %broadcast_in_dim3A_118 = vector.broadcast %broadcast_in_dim3A_117 : f32 to vector<16xf32>
      %broadcast_in_dim3A_119 = arith.constant 0.000000e+00 : f32
      %broadcast_in_dim3A_120 = vector.broadcast %broadcast_in_dim3A_119 : f32 to vector<16xf32>
      %broadcast_in_dim3A_121 = arith.constant 0.000000e+00 : f32
      %broadcast_in_dim3A_122 = vector.broadcast %broadcast_in_dim3A_121 : f32 to vector<16xf32>
      %broadcast_in_dim3A_123 = arith.constant 0.000000e+00 : f32
      %broadcast_in_dim3A_124 = vector.broadcast %broadcast_in_dim3A_123 : f32 to vector<16xf32>
      %scan3A_125 = arith.constant 0 : i32
      %scan3A_126 = arith.constant 50 : i32
      %scan3A_127 = arith.addi %scan3A_125, %scan3A_126 : i32
      %scan3A_128 = arith.constant 1 : i32
      %scan3A_129:4 = scf.for %scan3A_506 = %scan3A_125 to %scan3A_127 step %scan3A_128 iter_args(%scan3A_507 = %broadcast_in_dim3A_118, %scan3A_508 = %broadcast_in_dim3A_120, %scan3A_509 = %broadcast_in_dim3A_122, %scan3A_510 = %broadcast_in_dim3A_124) -> (vector<16xf32>, vector<16xf32>, vector<16xf32>, vector<16xf32>)  : i32 {
        %add3A_511 = arith.constant 50 : i32
        %add3A_512 = arith.addi %add3A_511, %scan3A_506 : i32
        %get3A = arith.constant 0 : i32
        %get3A_513 = arith.index_cast %get3A : i32 to index
        %get3A_514 = arith.index_cast %add3A_512 : i32 to index
        %get3A_515 = arith.constant 0 : index
        %get3A_516 = tpu.vector_load %arg6[%get3A_513, %get3A_514, %get3A_515] {strides = array<i32>} : memref<4x100x64xf32, #tpu.memory_space<vmem>>, vector<1x1x16xf32>,
        %get3A_517 = vector.shape_cast %get3A_516 : vector<1x1x16xf32> to vector<16xf32>
        %add3A_518 = arith.addf %scan3A_507, %get3A_517 : vector<16xf32>
        %get3A_519 = arith.constant 0 : i32
        %get3A_520 = arith.index_cast %get3A_519 : i32 to index
        %get3A_521 = arith.index_cast %add3A_512 : i32 to index
        %get3A_522 = arith.constant 16 : index
        %get3A_523 = tpu.vector_load %arg6[%get3A_520, %get3A_521, %get3A_522] {strides = array<i32>} : memref<4x100x64xf32, #tpu.memory_space<vmem>>, vector<1x1x16xf32>,
        %get3A_524 = vector.shape_cast %get3A_523 : vector<1x1x16xf32> to vector<16xf32>
        %add3A_525 = arith.addf %scan3A_508, %get3A_524 : vector<16xf32>
        %get3A_526 = arith.constant 0 : i32
        %get3A_527 = arith.index_cast %get3A_526 : i32 to index
        %get3A_528 = arith.index_cast %add3A_512 : i32 to index
        %get3A_529 = arith.constant 32 : index
        %get3A_530 = tpu.vector_load %arg6[%get3A_527, %get3A_528, %get3A_529] {strides = array<i32>} : memref<4x100x64xf32, #tpu.memory_space<vmem>>, vector<1x1x16xf32>,
        %get3A_531 = vector.shape_cast %get3A_530 : vector<1x1x16xf32> to vector<16xf32>
        %add3A_532 = arith.addf %scan3A_509, %get3A_531 : vector<16xf32>
        %get3A_533 = arith.constant 0 : i32
        %get3A_534 = arith.index_cast %get3A_533 : i32 to index
        %get3A_535 = arith.index_cast %add3A_512 : i32 to index
        %get3A_536 = arith.constant 48 : index
        %get3A_537 = tpu.vector_load %arg6[%get3A_534, %get3A_535, %get3A_536] {strides = array<i32>} : memref<4x100x64xf32, #tpu.memory_space<vmem>>, vector<1x1x16xf32>,
        %get3A_538 = vector.shape_cast %get3A_537 : vector<1x1x16xf32> to vector<16xf32>
        %add3A_539 = arith.addf %scan3A_510, %get3A_538 : vector<16xf32>
        scf.yield %add3A_518, %add3A_525, %add3A_532, %add3A_539 : vector<16xf32>, vector<16xf32>, vector<16xf32>, vector<16xf32>
      }
      %scan3A_130 = arith.constant 50 : i32
      %mul3A_131 = arith.constant 2 : i32
      %mul3A_132 = arith.muli %add3A_61, %mul3A_131 : i32
      %add3A_133 = arith.constant 1 : i32
      %add3A_134 = arith.addi %mul3A_132, %add3A_133 : i32
      %mul3A_135 = vector.broadcast %scan3A : f32 to vector<16xf32>
      %mul3A_136 = arith.mulf %scan3A_129#0, %mul3A_135 : vector<16xf32>
      %swap3A_137 = arith.index_cast %add3A_134 : i32 to index
      %swap3A_138 = arith.constant 0 : index
      %swap3A_139 = tpu.vector_load %arg7[%swap3A_137, %swap3A_138] {strides = array<i32>} : memref<128x64xf32, #tpu.memory_space<vmem>>, vector<1x16xf32>,
      %swap3A_140 = vector.shape_cast %swap3A_139 : vector<1x16xf32> to vector<16xf32>
      %swap3A_141 = vector.shape_cast %mul3A_136 : vector<16xf32> to vector<1x16xf32>
      tpu.vector_store %arg7[%swap3A_137, %swap3A_138], %swap3A_141 {strides = array<i32>} : memref<128x64xf32, #tpu.memory_space<vmem>>, vector<1x16xf32>,
      %mul3A_142 = vector.broadcast %scan3A : f32 to vector<16xf32>
      %mul3A_143 = arith.mulf %scan3A_129#1, %mul3A_142 : vector<16xf32>
      %swap3A_144 = arith.index_cast %add3A_134 : i32 to index
      %swap3A_145 = arith.constant 16 : index
      %swap3A_146 = tpu.vector_load %arg7[%swap3A_144, %swap3A_145] {strides = array<i32>} : memref<128x64xf32, #tpu.memory_space<vmem>>, vector<1x16xf32>,
      %swap3A_147 = vector.shape_cast %swap3A_146 : vector<1x16xf32> to vector<16xf32>
      %swap3A_148 = vector.shape_cast %mul3A_143 : vector<16xf32> to vector<1x16xf32>
      tpu.vector_store %arg7[%swap3A_144, %swap3A_145], %swap3A_148 {strides = array<i32>} : memref<128x64xf32, #tpu.memory_space<vmem>>, vector<1x16xf32>,
      %mul3A_149 = vector.broadcast %scan3A : f32 to vector<16xf32>
      %mul3A_150 = arith.mulf %scan3A_129#2, %mul3A_149 : vector<16xf32>
      %swap3A_151 = arith.index_cast %add3A_134 : i32 to index
      %swap3A_152 = arith.constant 32 : index
      %swap3A_153 = tpu.vector_load %arg7[%swap3A_151, %swap3A_152] {strides = array<i32>} : memref<128x64xf32, #tpu.memory_space<vmem>>, vector<1x16xf32>,
      %swap3A_154 = vector.shape_cast %swap3A_153 : vector<1x16xf32> to vector<16xf32>
      %swap3A_155 = vector.shape_cast %mul3A_150 : vector<16xf32> to vector<1x16xf32>
      tpu.vector_store %arg7[%swap3A_151, %swap3A_152], %swap3A_155 {strides = array<i32>} : memref<128x64xf32, #tpu.memory_space<vmem>>, vector<1x16xf32>,
      %mul3A_156 = vector.broadcast %scan3A : f32 to vector<16xf32>
      %mul3A_157 = arith.mulf %scan3A_129#3, %mul3A_156 : vector<16xf32>
      %swap3A_158 = arith.index_cast %add3A_134 : i32 to index
      %swap3A_159 = arith.constant 48 : index
      %swap3A_160 = tpu.vector_load %arg7[%swap3A_158, %swap3A_159] {strides = array<i32>} : memref<128x64xf32, #tpu.memory_space<vmem>>, vector<1x16xf32>,
      %swap3A_161 = vector.shape_cast %swap3A_160 : vector<1x16xf32> to vector<16xf32>
      %swap3A_162 = vector.shape_cast %mul3A_157 : vector<16xf32> to vector<1x16xf32>
      tpu.vector_store %arg7[%swap3A_158, %swap3A_159], %swap3A_162 {strides = array<i32>} : memref<128x64xf32, #tpu.memory_space<vmem>>, vector<1x16xf32>,
      %add3A_163 = arith.constant 4 : i32
      %add3A_164 = arith.addi %add3A_61, %add3A_163 : i32
      %lt3A = arith.constant 64 : i32
      %lt3A_165 = arith.cmpi slt, %add3A_164, %lt3A : i32
      %convert_element_type3A = arith.extui %lt3A_165 : i1 to i32
      %cond3A = arith.constant 0 : i32
      %cond3A_166 = arith.cmpi ne, %convert_element_type3A, %cond3A : i32
      scf.if %cond3A_166 {
        %dma_start3A_506 = arith.constant 0 : i32
        %dma_start3A_507 = arith.constant 0 : i32
        %dma_start3A_508 = arith.constant 0 : i32
        %dma_start3A_509 = tpu.memref_slice %arg6[%dma_start3A_506, %dma_start3A_507, %dma_start3A_508] : memref<4x100x64xf32, #tpu.memory_space<vmem>> -> memref<1x100x64xf32, #tpu.memory_space<vmem>>
        %dma_start3A_510 = tpu.memref_squeeze %dma_start3A_509 : memref<1x100x64xf32, #tpu.memory_space<vmem>> -> memref<100x64xf32, #tpu.memory_space<vmem>>
        %dma_start3A_511 = arith.constant 0 : i32
        %dma_start3A_512 = tpu.memref_slice %arg5[%add3A_164, %dma_start3A_511] : memref<64x100xi32, #tpu.memory_space<vmem>> -> memref<1x100xi32, #tpu.memory_space<vmem>>
        %dma_start3A_513 = tpu.memref_squeeze %dma_start3A_512 : memref<1x100xi32, #tpu.memory_space<vmem>> -> memref<100xi32, #tpu.memory_space<vmem>>
        %dma_start3A_514 = arith.constant 0 : i32
        %dma_start3A_515 = arith.constant 0 : i32
        %dma_start3A_516 = tpu.memref_slice %arg3[%dma_start3A_514, %dma_start3A_515] : memref<100000x64xf32, #tpu.memory_space<hbm>> -> memref<100000x64xf32, #tpu.memory_space<hbm>>
        tpu.enqueue_indirect_dma source(%dma_start3A_516 : memref<100000x64xf32, #tpu.memory_space<hbm>>) target(%dma_start3A_510 : memref<100x64xf32, #tpu.memory_space<vmem>>) offsets(%dma_start3A_513 : memref<100xi32, #tpu.memory_space<vmem>>) semaphore(%arg8 : memref<!tpu.dma_semaphore, #tpu.memory_space<semaphore_mem>>)
      } else {
      }
      %add3A_167 = arith.constant 1 : i32
      %add3A_168 = arith.addi %add3A_59, %add3A_167 : i32
      %dma_wait3A_169 = arith.constant 0 : i32
      %dma_wait3A_170 = arith.constant 1 : i32
      %dma_wait3A_171 = arith.constant 0 : i32
      %dma_wait3A_172 = arith.constant 0 : i32
      %dma_wait3A_173 = tpu.memref_slice %arg6[%dma_wait3A_170, %dma_wait3A_171, %dma_wait3A_172] : memref<4x100x64xf32, #tpu.memory_space<vmem>> -> memref<1x100x64xf32, #tpu.memory_space<vmem>>
      %dma_wait3A_174 = tpu.memref_squeeze %dma_wait3A_173 : memref<1x100x64xf32, #tpu.memory_space<vmem>> -> memref<100x64xf32, #tpu.memory_space<vmem>>
      %dma_wait3A_175 = arith.constant 0 : i32
      %dma_wait3A_176 = tpu.memref_slice %arg5[%dma_wait3A_169, %dma_wait3A_175] : memref<64x100xi32, #tpu.memory_space<vmem>> -> memref<1x100xi32, #tpu.memory_space<vmem>>
      %dma_wait3A_177 = tpu.memref_squeeze %dma_wait3A_176 : memref<1x100xi32, #tpu.memory_space<vmem>> -> memref<100xi32, #tpu.memory_space<vmem>>
      %dma_wait3A_178 = arith.constant 0 : i32
      %dma_wait3A_179 = arith.constant 0 : i32
      %dma_wait3A_180 = tpu.memref_slice %arg3[%dma_wait3A_178, %dma_wait3A_179] : memref<100000x64xf32, #tpu.memory_space<hbm>> -> memref<100000x64xf32, #tpu.memory_space<hbm>>
      tpu.wait_indirect_dma semaphore(%arg9 : memref<!tpu.dma_semaphore, #tpu.memory_space<semaphore_mem>>) src(%dma_wait3A_180 : memref<100000x64xf32, #tpu.memory_space<hbm>>) dst(%dma_wait3A_174 : memref<100x64xf32, #tpu.memory_space<vmem>>)
      %broadcast_in_dim3A_181 = arith.constant 0.000000e+00 : f32
      %broadcast_in_dim3A_182 = vector.broadcast %broadcast_in_dim3A_181 : f32 to vector<16xf32>
      %broadcast_in_dim3A_183 = arith.constant 0.000000e+00 : f32
      %broadcast_in_dim3A_184 = vector.broadcast %broadcast_in_dim3A_183 : f32 to vector<16xf32>
      %broadcast_in_dim3A_185 = arith.constant 0.000000e+00 : f32
      %broadcast_in_dim3A_186 = vector.broadcast %broadcast_in_dim3A_185 : f32 to vector<16xf32>
      %broadcast_in_dim3A_187 = arith.constant 0.000000e+00 : f32
      %broadcast_in_dim3A_188 = vector.broadcast %broadcast_in_dim3A_187 : f32 to vector<16xf32>
      %scan3A_189 = arith.constant 0 : i32
      %scan3A_190 = arith.constant 50 : i32
      %scan3A_191 = arith.addi %scan3A_189, %scan3A_190 : i32
      %scan3A_192 = arith.constant 1 : i32
      %scan3A_193:4 = scf.for %scan3A_506 = %scan3A_189 to %scan3A_191 step %scan3A_192 iter_args(%scan3A_507 = %broadcast_in_dim3A_182, %scan3A_508 = %broadcast_in_dim3A_184, %scan3A_509 = %broadcast_in_dim3A_186, %scan3A_510 = %broadcast_in_dim3A_188) -> (vector<16xf32>, vector<16xf32>, vector<16xf32>, vector<16xf32>)  : i32 {
        %add3A_511 = arith.constant 0 : i32
        %add3A_512 = arith.addi %add3A_511, %scan3A_506 : i32
        %get3A = arith.constant 1 : i32
        %get3A_513 = arith.index_cast %get3A : i32 to index
        %get3A_514 = arith.index_cast %add3A_512 : i32 to index
        %get3A_515 = arith.constant 0 : index
        %get3A_516 = tpu.vector_load %arg6[%get3A_513, %get3A_514, %get3A_515] {strides = array<i32>} : memref<4x100x64xf32, #tpu.memory_space<vmem>>, vector<1x1x16xf32>,
        %get3A_517 = vector.shape_cast %get3A_516 : vector<1x1x16xf32> to vector<16xf32>
        %add3A_518 = arith.addf %scan3A_507, %get3A_517 : vector<16xf32>
        %get3A_519 = arith.constant 1 : i32
        %get3A_520 = arith.index_cast %get3A_519 : i32 to index
        %get3A_521 = arith.index_cast %add3A_512 : i32 to index
        %get3A_522 = arith.constant 16 : index
        %get3A_523 = tpu.vector_load %arg6[%get3A_520, %get3A_521, %get3A_522] {strides = array<i32>} : memref<4x100x64xf32, #tpu.memory_space<vmem>>, vector<1x1x16xf32>,
        %get3A_524 = vector.shape_cast %get3A_523 : vector<1x1x16xf32> to vector<16xf32>
        %add3A_525 = arith.addf %scan3A_508, %get3A_524 : vector<16xf32>
        %get3A_526 = arith.constant 1 : i32
        %get3A_527 = arith.index_cast %get3A_526 : i32 to index
        %get3A_528 = arith.index_cast %add3A_512 : i32 to index
        %get3A_529 = arith.constant 32 : index
        %get3A_530 = tpu.vector_load %arg6[%get3A_527, %get3A_528, %get3A_529] {strides = array<i32>} : memref<4x100x64xf32, #tpu.memory_space<vmem>>, vector<1x1x16xf32>,
        %get3A_531 = vector.shape_cast %get3A_530 : vector<1x1x16xf32> to vector<16xf32>
        %add3A_532 = arith.addf %scan3A_509, %get3A_531 : vector<16xf32>
        %get3A_533 = arith.constant 1 : i32
        %get3A_534 = arith.index_cast %get3A_533 : i32 to index
        %get3A_535 = arith.index_cast %add3A_512 : i32 to index
        %get3A_536 = arith.constant 48 : index
        %get3A_537 = tpu.vector_load %arg6[%get3A_534, %get3A_535, %get3A_536] {strides = array<i32>} : memref<4x100x64xf32, #tpu.memory_space<vmem>>, vector<1x1x16xf32>,
        %get3A_538 = vector.shape_cast %get3A_537 : vector<1x1x16xf32> to vector<16xf32>
        %add3A_539 = arith.addf %scan3A_510, %get3A_538 : vector<16xf32>
        scf.yield %add3A_518, %add3A_525, %add3A_532, %add3A_539 : vector<16xf32>, vector<16xf32>, vector<16xf32>, vector<16xf32>
      }
      %scan3A_194 = arith.constant 50 : i32
      %mul3A_195 = arith.constant 2 : i32
      %mul3A_196 = arith.muli %add3A_168, %mul3A_195 : i32
      %add3A_197 = arith.constant 0 : i32
      %add3A_198 = arith.addi %mul3A_196, %add3A_197 : i32
      %mul3A_199 = vector.broadcast %scan3A : f32 to vector<16xf32>
      %mul3A_200 = arith.mulf %scan3A_193#0, %mul3A_199 : vector<16xf32>
      %swap3A_201 = arith.index_cast %add3A_198 : i32 to index
      %swap3A_202 = arith.constant 0 : index
      %swap3A_203 = tpu.vector_load %arg7[%swap3A_201, %swap3A_202] {strides = array<i32>} : memref<128x64xf32, #tpu.memory_space<vmem>>, vector<1x16xf32>,
      %swap3A_204 = vector.shape_cast %swap3A_203 : vector<1x16xf32> to vector<16xf32>
      %swap3A_205 = vector.shape_cast %mul3A_200 : vector<16xf32> to vector<1x16xf32>
      tpu.vector_store %arg7[%swap3A_201, %swap3A_202], %swap3A_205 {strides = array<i32>} : memref<128x64xf32, #tpu.memory_space<vmem>>, vector<1x16xf32>,
      %mul3A_206 = vector.broadcast %scan3A : f32 to vector<16xf32>
      %mul3A_207 = arith.mulf %scan3A_193#1, %mul3A_206 : vector<16xf32>
      %swap3A_208 = arith.index_cast %add3A_198 : i32 to index
      %swap3A_209 = arith.constant 16 : index
      %swap3A_210 = tpu.vector_load %arg7[%swap3A_208, %swap3A_209] {strides = array<i32>} : memref<128x64xf32, #tpu.memory_space<vmem>>, vector<1x16xf32>,
      %swap3A_211 = vector.shape_cast %swap3A_210 : vector<1x16xf32> to vector<16xf32>
      %swap3A_212 = vector.shape_cast %mul3A_207 : vector<16xf32> to vector<1x16xf32>
      tpu.vector_store %arg7[%swap3A_208, %swap3A_209], %swap3A_212 {strides = array<i32>} : memref<128x64xf32, #tpu.memory_space<vmem>>, vector<1x16xf32>,
      %mul3A_213 = vector.broadcast %scan3A : f32 to vector<16xf32>
      %mul3A_214 = arith.mulf %scan3A_193#2, %mul3A_213 : vector<16xf32>
      %swap3A_215 = arith.index_cast %add3A_198 : i32 to index
      %swap3A_216 = arith.constant 32 : index
      %swap3A_217 = tpu.vector_load %arg7[%swap3A_215, %swap3A_216] {strides = array<i32>} : memref<128x64xf32, #tpu.memory_space<vmem>>, vector<1x16xf32>,
      %swap3A_218 = vector.shape_cast %swap3A_217 : vector<1x16xf32> to vector<16xf32>
      %swap3A_219 = vector.shape_cast %mul3A_214 : vector<16xf32> to vector<1x16xf32>
      tpu.vector_store %arg7[%swap3A_215, %swap3A_216], %swap3A_219 {strides = array<i32>} : memref<128x64xf32, #tpu.memory_space<vmem>>, vector<1x16xf32>,
      %mul3A_220 = vector.broadcast %scan3A : f32 to vector<16xf32>
      %mul3A_221 = arith.mulf %scan3A_193#3, %mul3A_220 : vector<16xf32>
      %swap3A_222 = arith.index_cast %add3A_198 : i32 to index
      %swap3A_223 = arith.constant 48 : index
      %swap3A_224 = tpu.vector_load %arg7[%swap3A_222, %swap3A_223] {strides = array<i32>} : memref<128x64xf32, #tpu.memory_space<vmem>>, vector<1x16xf32>,
      %swap3A_225 = vector.shape_cast %swap3A_224 : vector<1x16xf32> to vector<16xf32>
      %swap3A_226 = vector.shape_cast %mul3A_221 : vector<16xf32> to vector<1x16xf32>
      tpu.vector_store %arg7[%swap3A_222, %swap3A_223], %swap3A_226 {strides = array<i32>} : memref<128x64xf32, #tpu.memory_space<vmem>>, vector<1x16xf32>,
      %broadcast_in_dim3A_227 = arith.constant 0.000000e+00 : f32
      %broadcast_in_dim3A_228 = vector.broadcast %broadcast_in_dim3A_227 : f32 to vector<16xf32>
      %broadcast_in_dim3A_229 = arith.constant 0.000000e+00 : f32
      %broadcast_in_dim3A_230 = vector.broadcast %broadcast_in_dim3A_229 : f32 to vector<16xf32>
      %broadcast_in_dim3A_231 = arith.constant 0.000000e+00 : f32
      %broadcast_in_dim3A_232 = vector.broadcast %broadcast_in_dim3A_231 : f32 to vector<16xf32>
      %broadcast_in_dim3A_233 = arith.constant 0.000000e+00 : f32
      %broadcast_in_dim3A_234 = vector.broadcast %broadcast_in_dim3A_233 : f32 to vector<16xf32>
      %scan3A_235 = arith.constant 0 : i32
      %scan3A_236 = arith.constant 50 : i32
      %scan3A_237 = arith.addi %scan3A_235, %scan3A_236 : i32
      %scan3A_238 = arith.constant 1 : i32
      %scan3A_239:4 = scf.for %scan3A_506 = %scan3A_235 to %scan3A_237 step %scan3A_238 iter_args(%scan3A_507 = %broadcast_in_dim3A_228, %scan3A_508 = %broadcast_in_dim3A_230, %scan3A_509 = %broadcast_in_dim3A_232, %scan3A_510 = %broadcast_in_dim3A_234) -> (vector<16xf32>, vector<16xf32>, vector<16xf32>, vector<16xf32>)  : i32 {
        %add3A_511 = arith.constant 50 : i32
        %add3A_512 = arith.addi %add3A_511, %scan3A_506 : i32
        %get3A = arith.constant 1 : i32
        %get3A_513 = arith.index_cast %get3A : i32 to index
        %get3A_514 = arith.index_cast %add3A_512 : i32 to index
        %get3A_515 = arith.constant 0 : index
        %get3A_516 = tpu.vector_load %arg6[%get3A_513, %get3A_514, %get3A_515] {strides = array<i32>} : memref<4x100x64xf32, #tpu.memory_space<vmem>>, vector<1x1x16xf32>,
        %get3A_517 = vector.shape_cast %get3A_516 : vector<1x1x16xf32> to vector<16xf32>
        %add3A_518 = arith.addf %scan3A_507, %get3A_517 : vector<16xf32>
        %get3A_519 = arith.constant 1 : i32
        %get3A_520 = arith.index_cast %get3A_519 : i32 to index
        %get3A_521 = arith.index_cast %add3A_512 : i32 to index
        %get3A_522 = arith.constant 16 : index
        %get3A_523 = tpu.vector_load %arg6[%get3A_520, %get3A_521, %get3A_522] {strides = array<i32>} : memref<4x100x64xf32, #tpu.memory_space<vmem>>, vector<1x1x16xf32>,
        %get3A_524 = vector.shape_cast %get3A_523 : vector<1x1x16xf32> to vector<16xf32>
        %add3A_525 = arith.addf %scan3A_508, %get3A_524 : vector<16xf32>
        %get3A_526 = arith.constant 1 : i32
        %get3A_527 = arith.index_cast %get3A_526 : i32 to index
        %get3A_528 = arith.index_cast %add3A_512 : i32 to index
        %get3A_529 = arith.constant 32 : index
        %get3A_530 = tpu.vector_load %arg6[%get3A_527, %get3A_528, %get3A_529] {strides = array<i32>} : memref<4x100x64xf32, #tpu.memory_space<vmem>>, vector<1x1x16xf32>,
        %get3A_531 = vector.shape_cast %get3A_530 : vector<1x1x16xf32> to vector<16xf32>
        %add3A_532 = arith.addf %scan3A_509, %get3A_531 : vector<16xf32>
        %get3A_533 = arith.constant 1 : i32
        %get3A_534 = arith.index_cast %get3A_533 : i32 to index
        %get3A_535 = arith.index_cast %add3A_512 : i32 to index
        %get3A_536 = arith.constant 48 : index
        %get3A_537 = tpu.vector_load %arg6[%get3A_534, %get3A_535, %get3A_536] {strides = array<i32>} : memref<4x100x64xf32, #tpu.memory_space<vmem>>, vector<1x1x16xf32>,
        %get3A_538 = vector.shape_cast %get3A_537 : vector<1x1x16xf32> to vector<16xf32>
        %add3A_539 = arith.addf %scan3A_510, %get3A_538 : vector<16xf32>
        scf.yield %add3A_518, %add3A_525, %add3A_532, %add3A_539 : vector<16xf32>, vector<16xf32>, vector<16xf32>, vector<16xf32>
      }
      %scan3A_240 = arith.constant 50 : i32
      %mul3A_241 = arith.constant 2 : i32
      %mul3A_242 = arith.muli %add3A_168, %mul3A_241 : i32
      %add3A_243 = arith.constant 1 : i32
      %add3A_244 = arith.addi %mul3A_242, %add3A_243 : i32
      %mul3A_245 = vector.broadcast %scan3A : f32 to vector<16xf32>
      %mul3A_246 = arith.mulf %scan3A_239#0, %mul3A_245 : vector<16xf32>
      %swap3A_247 = arith.index_cast %add3A_244 : i32 to index
      %swap3A_248 = arith.constant 0 : index
      %swap3A_249 = tpu.vector_load %arg7[%swap3A_247, %swap3A_248] {strides = array<i32>} : memref<128x64xf32, #tpu.memory_space<vmem>>, vector<1x16xf32>,
      %swap3A_250 = vector.shape_cast %swap3A_249 : vector<1x16xf32> to vector<16xf32>
      %swap3A_251 = vector.shape_cast %mul3A_246 : vector<16xf32> to vector<1x16xf32>
      tpu.vector_store %arg7[%swap3A_247, %swap3A_248], %swap3A_251 {strides = array<i32>} : memref<128x64xf32, #tpu.memory_space<vmem>>, vector<1x16xf32>,
      %mul3A_252 = vector.broadcast %scan3A : f32 to vector<16xf32>
      %mul3A_253 = arith.mulf %scan3A_239#1, %mul3A_252 : vector<16xf32>
      %swap3A_254 = arith.index_cast %add3A_244 : i32 to index
      %swap3A_255 = arith.constant 16 : index
      %swap3A_256 = tpu.vector_load %arg7[%swap3A_254, %swap3A_255] {strides = array<i32>} : memref<128x64xf32, #tpu.memory_space<vmem>>, vector<1x16xf32>,
      %swap3A_257 = vector.shape_cast %swap3A_256 : vector<1x16xf32> to vector<16xf32>
      %swap3A_258 = vector.shape_cast %mul3A_253 : vector<16xf32> to vector<1x16xf32>
      tpu.vector_store %arg7[%swap3A_254, %swap3A_255], %swap3A_258 {strides = array<i32>} : memref<128x64xf32, #tpu.memory_space<vmem>>, vector<1x16xf32>,
      %mul3A_259 = vector.broadcast %scan3A : f32 to vector<16xf32>
      %mul3A_260 = arith.mulf %scan3A_239#2, %mul3A_259 : vector<16xf32>
      %swap3A_261 = arith.index_cast %add3A_244 : i32 to index
      %swap3A_262 = arith.constant 32 : index
      %swap3A_263 = tpu.vector_load %arg7[%swap3A_261, %swap3A_262] {strides = array<i32>} : memref<128x64xf32, #tpu.memory_space<vmem>>, vector<1x16xf32>,
      %swap3A_264 = vector.shape_cast %swap3A_263 : vector<1x16xf32> to vector<16xf32>
      %swap3A_265 = vector.shape_cast %mul3A_260 : vector<16xf32> to vector<1x16xf32>
      tpu.vector_store %arg7[%swap3A_261, %swap3A_262], %swap3A_265 {strides = array<i32>} : memref<128x64xf32, #tpu.memory_space<vmem>>, vector<1x16xf32>,
      %mul3A_266 = vector.broadcast %scan3A : f32 to vector<16xf32>
      %mul3A_267 = arith.mulf %scan3A_239#3, %mul3A_266 : vector<16xf32>
      %swap3A_268 = arith.index_cast %add3A_244 : i32 to index
      %swap3A_269 = arith.constant 48 : index
      %swap3A_270 = tpu.vector_load %arg7[%swap3A_268, %swap3A_269] {strides = array<i32>} : memref<128x64xf32, #tpu.memory_space<vmem>>, vector<1x16xf32>,
      %swap3A_271 = vector.shape_cast %swap3A_270 : vector<1x16xf32> to vector<16xf32>
      %swap3A_272 = vector.shape_cast %mul3A_267 : vector<16xf32> to vector<1x16xf32>
      tpu.vector_store %arg7[%swap3A_268, %swap3A_269], %swap3A_272 {strides = array<i32>} : memref<128x64xf32, #tpu.memory_space<vmem>>, vector<1x16xf32>,
      %add3A_273 = arith.constant 4 : i32
      %add3A_274 = arith.addi %add3A_168, %add3A_273 : i32
      %lt3A_275 = arith.constant 64 : i32
      %lt3A_276 = arith.cmpi slt, %add3A_274, %lt3A_275 : i32
      %convert_element_type3A_277 = arith.extui %lt3A_276 : i1 to i32
      %cond3A_278 = arith.constant 0 : i32
      %cond3A_279 = arith.cmpi ne, %convert_element_type3A_277, %cond3A_278 : i32
      scf.if %cond3A_279 {
        %dma_start3A_506 = arith.constant 1 : i32
        %dma_start3A_507 = arith.constant 0 : i32
        %dma_start3A_508 = arith.constant 0 : i32
        %dma_start3A_509 = tpu.memref_slice %arg6[%dma_start3A_506, %dma_start3A_507, %dma_start3A_508] : memref<4x100x64xf32, #tpu.memory_space<vmem>> -> memref<1x100x64xf32, #tpu.memory_space<vmem>>
        %dma_start3A_510 = tpu.memref_squeeze %dma_start3A_509 : memref<1x100x64xf32, #tpu.memory_space<vmem>> -> memref<100x64xf32, #tpu.memory_space<vmem>>
        %dma_start3A_511 = arith.constant 0 : i32
        %dma_start3A_512 = tpu.memref_slice %arg5[%add3A_274, %dma_start3A_511] : memref<64x100xi32, #tpu.memory_space<vmem>> -> memref<1x100xi32, #tpu.memory_space<vmem>>
        %dma_start3A_513 = tpu.memref_squeeze %dma_start3A_512 : memref<1x100xi32, #tpu.memory_space<vmem>> -> memref<100xi32, #tpu.memory_space<vmem>>
        %dma_start3A_514 = arith.constant 0 : i32
        %dma_start3A_515 = arith.constant 0 : i32
        %dma_start3A_516 = tpu.memref_slice %arg3[%dma_start3A_514, %dma_start3A_515] : memref<100000x64xf32, #tpu.memory_space<hbm>> -> memref<100000x64xf32, #tpu.memory_space<hbm>>
        tpu.enqueue_indirect_dma source(%dma_start3A_516 : memref<100000x64xf32, #tpu.memory_space<hbm>>) target(%dma_start3A_510 : memref<100x64xf32, #tpu.memory_space<vmem>>) offsets(%dma_start3A_513 : memref<100xi32, #tpu.memory_space<vmem>>) semaphore(%arg9 : memref<!tpu.dma_semaphore, #tpu.memory_space<semaphore_mem>>)
      } else {
      }
      %add3A_280 = arith.constant 2 : i32
      %add3A_281 = arith.addi %add3A_59, %add3A_280 : i32
      %dma_wait3A_282 = arith.constant 0 : i32
      %dma_wait3A_283 = arith.constant 2 : i32
      %dma_wait3A_284 = arith.constant 0 : i32
      %dma_wait3A_285 = arith.constant 0 : i32
      %dma_wait3A_286 = tpu.memref_slice %arg6[%dma_wait3A_283, %dma_wait3A_284, %dma_wait3A_285] : memref<4x100x64xf32, #tpu.memory_space<vmem>> -> memref<1x100x64xf32, #tpu.memory_space<vmem>>
      %dma_wait3A_287 = tpu.memref_squeeze %dma_wait3A_286 : memref<1x100x64xf32, #tpu.memory_space<vmem>> -> memref<100x64xf32, #tpu.memory_space<vmem>>
      %dma_wait3A_288 = arith.constant 0 : i32
      %dma_wait3A_289 = tpu.memref_slice %arg5[%dma_wait3A_282, %dma_wait3A_288] : memref<64x100xi32, #tpu.memory_space<vmem>> -> memref<1x100xi32, #tpu.memory_space<vmem>>
      %dma_wait3A_290 = tpu.memref_squeeze %dma_wait3A_289 : memref<1x100xi32, #tpu.memory_space<vmem>> -> memref<100xi32, #tpu.memory_space<vmem>>
      %dma_wait3A_291 = arith.constant 0 : i32
      %dma_wait3A_292 = arith.constant 0 : i32
      %dma_wait3A_293 = tpu.memref_slice %arg3[%dma_wait3A_291, %dma_wait3A_292] : memref<100000x64xf32, #tpu.memory_space<hbm>> -> memref<100000x64xf32, #tpu.memory_space<hbm>>
      tpu.wait_indirect_dma semaphore(%arg10 : memref<!tpu.dma_semaphore, #tpu.memory_space<semaphore_mem>>) src(%dma_wait3A_293 : memref<100000x64xf32, #tpu.memory_space<hbm>>) dst(%dma_wait3A_287 : memref<100x64xf32, #tpu.memory_space<vmem>>)
      %broadcast_in_dim3A_294 = arith.constant 0.000000e+00 : f32
      %broadcast_in_dim3A_295 = vector.broadcast %broadcast_in_dim3A_294 : f32 to vector<16xf32>
      %broadcast_in_dim3A_296 = arith.constant 0.000000e+00 : f32
      %broadcast_in_dim3A_297 = vector.broadcast %broadcast_in_dim3A_296 : f32 to vector<16xf32>
      %broadcast_in_dim3A_298 = arith.constant 0.000000e+00 : f32
      %broadcast_in_dim3A_299 = vector.broadcast %broadcast_in_dim3A_298 : f32 to vector<16xf32>
      %broadcast_in_dim3A_300 = arith.constant 0.000000e+00 : f32
      %broadcast_in_dim3A_301 = vector.broadcast %broadcast_in_dim3A_300 : f32 to vector<16xf32>
      %scan3A_302 = arith.constant 0 : i32
      %scan3A_303 = arith.constant 50 : i32
      %scan3A_304 = arith.addi %scan3A_302, %scan3A_303 : i32
      %scan3A_305 = arith.constant 1 : i32
      %scan3A_306:4 = scf.for %scan3A_506 = %scan3A_302 to %scan3A_304 step %scan3A_305 iter_args(%scan3A_507 = %broadcast_in_dim3A_295, %scan3A_508 = %broadcast_in_dim3A_297, %scan3A_509 = %broadcast_in_dim3A_299, %scan3A_510 = %broadcast_in_dim3A_301) -> (vector<16xf32>, vector<16xf32>, vector<16xf32>, vector<16xf32>)  : i32 {
        %add3A_511 = arith.constant 0 : i32
        %add3A_512 = arith.addi %add3A_511, %scan3A_506 : i32
        %get3A = arith.constant 2 : i32
        %get3A_513 = arith.index_cast %get3A : i32 to index
        %get3A_514 = arith.index_cast %add3A_512 : i32 to index
        %get3A_515 = arith.constant 0 : index
        %get3A_516 = tpu.vector_load %arg6[%get3A_513, %get3A_514, %get3A_515] {strides = array<i32>} : memref<4x100x64xf32, #tpu.memory_space<vmem>>, vector<1x1x16xf32>,
        %get3A_517 = vector.shape_cast %get3A_516 : vector<1x1x16xf32> to vector<16xf32>
        %add3A_518 = arith.addf %scan3A_507, %get3A_517 : vector<16xf32>
        %get3A_519 = arith.constant 2 : i32
        %get3A_520 = arith.index_cast %get3A_519 : i32 to index
        %get3A_521 = arith.index_cast %add3A_512 : i32 to index
        %get3A_522 = arith.constant 16 : index
        %get3A_523 = tpu.vector_load %arg6[%get3A_520, %get3A_521, %get3A_522] {strides = array<i32>} : memref<4x100x64xf32, #tpu.memory_space<vmem>>, vector<1x1x16xf32>,
        %get3A_524 = vector.shape_cast %get3A_523 : vector<1x1x16xf32> to vector<16xf32>
        %add3A_525 = arith.addf %scan3A_508, %get3A_524 : vector<16xf32>
        %get3A_526 = arith.constant 2 : i32
        %get3A_527 = arith.index_cast %get3A_526 : i32 to index
        %get3A_528 = arith.index_cast %add3A_512 : i32 to index
        %get3A_529 = arith.constant 32 : index
        %get3A_530 = tpu.vector_load %arg6[%get3A_527, %get3A_528, %get3A_529] {strides = array<i32>} : memref<4x100x64xf32, #tpu.memory_space<vmem>>, vector<1x1x16xf32>,
        %get3A_531 = vector.shape_cast %get3A_530 : vector<1x1x16xf32> to vector<16xf32>
        %add3A_532 = arith.addf %scan3A_509, %get3A_531 : vector<16xf32>
        %get3A_533 = arith.constant 2 : i32
        %get3A_534 = arith.index_cast %get3A_533 : i32 to index
        %get3A_535 = arith.index_cast %add3A_512 : i32 to index
        %get3A_536 = arith.constant 48 : index
        %get3A_537 = tpu.vector_load %arg6[%get3A_534, %get3A_535, %get3A_536] {strides = array<i32>} : memref<4x100x64xf32, #tpu.memory_space<vmem>>, vector<1x1x16xf32>,
        %get3A_538 = vector.shape_cast %get3A_537 : vector<1x1x16xf32> to vector<16xf32>
        %add3A_539 = arith.addf %scan3A_510, %get3A_538 : vector<16xf32>
        scf.yield %add3A_518, %add3A_525, %add3A_532, %add3A_539 : vector<16xf32>, vector<16xf32>, vector<16xf32>, vector<16xf32>
      }
      %scan3A_307 = arith.constant 50 : i32
      %mul3A_308 = arith.constant 2 : i32
      %mul3A_309 = arith.muli %add3A_281, %mul3A_308 : i32
      %add3A_310 = arith.constant 0 : i32
      %add3A_311 = arith.addi %mul3A_309, %add3A_310 : i32
      %mul3A_312 = vector.broadcast %scan3A : f32 to vector<16xf32>
      %mul3A_313 = arith.mulf %scan3A_306#0, %mul3A_312 : vector<16xf32>
      %swap3A_314 = arith.index_cast %add3A_311 : i32 to index
      %swap3A_315 = arith.constant 0 : index
      %swap3A_316 = tpu.vector_load %arg7[%swap3A_314, %swap3A_315] {strides = array<i32>} : memref<128x64xf32, #tpu.memory_space<vmem>>, vector<1x16xf32>,
      %swap3A_317 = vector.shape_cast %swap3A_316 : vector<1x16xf32> to vector<16xf32>
      %swap3A_318 = vector.shape_cast %mul3A_313 : vector<16xf32> to vector<1x16xf32>
      tpu.vector_store %arg7[%swap3A_314, %swap3A_315], %swap3A_318 {strides = array<i32>} : memref<128x64xf32, #tpu.memory_space<vmem>>, vector<1x16xf32>,
      %mul3A_319 = vector.broadcast %scan3A : f32 to vector<16xf32>
      %mul3A_320 = arith.mulf %scan3A_306#1, %mul3A_319 : vector<16xf32>
      %swap3A_321 = arith.index_cast %add3A_311 : i32 to index
      %swap3A_322 = arith.constant 16 : index
      %swap3A_323 = tpu.vector_load %arg7[%swap3A_321, %swap3A_322] {strides = array<i32>} : memref<128x64xf32, #tpu.memory_space<vmem>>, vector<1x16xf32>,
      %swap3A_324 = vector.shape_cast %swap3A_323 : vector<1x16xf32> to vector<16xf32>
      %swap3A_325 = vector.shape_cast %mul3A_320 : vector<16xf32> to vector<1x16xf32>
      tpu.vector_store %arg7[%swap3A_321, %swap3A_322], %swap3A_325 {strides = array<i32>} : memref<128x64xf32, #tpu.memory_space<vmem>>, vector<1x16xf32>,
      %mul3A_326 = vector.broadcast %scan3A : f32 to vector<16xf32>
      %mul3A_327 = arith.mulf %scan3A_306#2, %mul3A_326 : vector<16xf32>
      %swap3A_328 = arith.index_cast %add3A_311 : i32 to index
      %swap3A_329 = arith.constant 32 : index
      %swap3A_330 = tpu.vector_load %arg7[%swap3A_328, %swap3A_329] {strides = array<i32>} : memref<128x64xf32, #tpu.memory_space<vmem>>, vector<1x16xf32>,
      %swap3A_331 = vector.shape_cast %swap3A_330 : vector<1x16xf32> to vector<16xf32>
      %swap3A_332 = vector.shape_cast %mul3A_327 : vector<16xf32> to vector<1x16xf32>
      tpu.vector_store %arg7[%swap3A_328, %swap3A_329], %swap3A_332 {strides = array<i32>} : memref<128x64xf32, #tpu.memory_space<vmem>>, vector<1x16xf32>,
      %mul3A_333 = vector.broadcast %scan3A : f32 to vector<16xf32>
      %mul3A_334 = arith.mulf %scan3A_306#3, %mul3A_333 : vector<16xf32>
      %swap3A_335 = arith.index_cast %add3A_311 : i32 to index
      %swap3A_336 = arith.constant 48 : index
      %swap3A_337 = tpu.vector_load %arg7[%swap3A_335, %swap3A_336] {strides = array<i32>} : memref<128x64xf32, #tpu.memory_space<vmem>>, vector<1x16xf32>,
      %swap3A_338 = vector.shape_cast %swap3A_337 : vector<1x16xf32> to vector<16xf32>
      %swap3A_339 = vector.shape_cast %mul3A_334 : vector<16xf32> to vector<1x16xf32>
      tpu.vector_store %arg7[%swap3A_335, %swap3A_336], %swap3A_339 {strides = array<i32>} : memref<128x64xf32, #tpu.memory_space<vmem>>, vector<1x16xf32>,
      %broadcast_in_dim3A_340 = arith.constant 0.000000e+00 : f32
      %broadcast_in_dim3A_341 = vector.broadcast %broadcast_in_dim3A_340 : f32 to vector<16xf32>
      %broadcast_in_dim3A_342 = arith.constant 0.000000e+00 : f32
      %broadcast_in_dim3A_343 = vector.broadcast %broadcast_in_dim3A_342 : f32 to vector<16xf32>
      %broadcast_in_dim3A_344 = arith.constant 0.000000e+00 : f32
      %broadcast_in_dim3A_345 = vector.broadcast %broadcast_in_dim3A_344 : f32 to vector<16xf32>
      %broadcast_in_dim3A_346 = arith.constant 0.000000e+00 : f32
      %broadcast_in_dim3A_347 = vector.broadcast %broadcast_in_dim3A_346 : f32 to vector<16xf32>
      %scan3A_348 = arith.constant 0 : i32
      %scan3A_349 = arith.constant 50 : i32
      %scan3A_350 = arith.addi %scan3A_348, %scan3A_349 : i32
      %scan3A_351 = arith.constant 1 : i32
      %scan3A_352:4 = scf.for %scan3A_506 = %scan3A_348 to %scan3A_350 step %scan3A_351 iter_args(%scan3A_507 = %broadcast_in_dim3A_341, %scan3A_508 = %broadcast_in_dim3A_343, %scan3A_509 = %broadcast_in_dim3A_345, %scan3A_510 = %broadcast_in_dim3A_347) -> (vector<16xf32>, vector<16xf32>, vector<16xf32>, vector<16xf32>)  : i32 {
        %add3A_511 = arith.constant 50 : i32
        %add3A_512 = arith.addi %add3A_511, %scan3A_506 : i32
        %get3A = arith.constant 2 : i32
        %get3A_513 = arith.index_cast %get3A : i32 to index
        %get3A_514 = arith.index_cast %add3A_512 : i32 to index
        %get3A_515 = arith.constant 0 : index
        %get3A_516 = tpu.vector_load %arg6[%get3A_513, %get3A_514, %get3A_515] {strides = array<i32>} : memref<4x100x64xf32, #tpu.memory_space<vmem>>, vector<1x1x16xf32>,
        %get3A_517 = vector.shape_cast %get3A_516 : vector<1x1x16xf32> to vector<16xf32>
        %add3A_518 = arith.addf %scan3A_507, %get3A_517 : vector<16xf32>
        %get3A_519 = arith.constant 2 : i32
        %get3A_520 = arith.index_cast %get3A_519 : i32 to index
        %get3A_521 = arith.index_cast %add3A_512 : i32 to index
        %get3A_522 = arith.constant 16 : index
        %get3A_523 = tpu.vector_load %arg6[%get3A_520, %get3A_521, %get3A_522] {strides = array<i32>} : memref<4x100x64xf32, #tpu.memory_space<vmem>>, vector<1x1x16xf32>,
        %get3A_524 = vector.shape_cast %get3A_523 : vector<1x1x16xf32> to vector<16xf32>
        %add3A_525 = arith.addf %scan3A_508, %get3A_524 : vector<16xf32>
        %get3A_526 = arith.constant 2 : i32
        %get3A_527 = arith.index_cast %get3A_526 : i32 to index
        %get3A_528 = arith.index_cast %add3A_512 : i32 to index
        %get3A_529 = arith.constant 32 : index
        %get3A_530 = tpu.vector_load %arg6[%get3A_527, %get3A_528, %get3A_529] {strides = array<i32>} : memref<4x100x64xf32, #tpu.memory_space<vmem>>, vector<1x1x16xf32>,
        %get3A_531 = vector.shape_cast %get3A_530 : vector<1x1x16xf32> to vector<16xf32>
        %add3A_532 = arith.addf %scan3A_509, %get3A_531 : vector<16xf32>
        %get3A_533 = arith.constant 2 : i32
        %get3A_534 = arith.index_cast %get3A_533 : i32 to index
        %get3A_535 = arith.index_cast %add3A_512 : i32 to index
        %get3A_536 = arith.constant 48 : index
        %get3A_537 = tpu.vector_load %arg6[%get3A_534, %get3A_535, %get3A_536] {strides = array<i32>} : memref<4x100x64xf32, #tpu.memory_space<vmem>>, vector<1x1x16xf32>,
        %get3A_538 = vector.shape_cast %get3A_537 : vector<1x1x16xf32> to vector<16xf32>
        %add3A_539 = arith.addf %scan3A_510, %get3A_538 : vector<16xf32>
        scf.yield %add3A_518, %add3A_525, %add3A_532, %add3A_539 : vector<16xf32>, vector<16xf32>, vector<16xf32>, vector<16xf32>
      }
      %scan3A_353 = arith.constant 50 : i32
      %mul3A_354 = arith.constant 2 : i32
      %mul3A_355 = arith.muli %add3A_281, %mul3A_354 : i32
      %add3A_356 = arith.constant 1 : i32
      %add3A_357 = arith.addi %mul3A_355, %add3A_356 : i32
      %mul3A_358 = vector.broadcast %scan3A : f32 to vector<16xf32>
      %mul3A_359 = arith.mulf %scan3A_352#0, %mul3A_358 : vector<16xf32>
      %swap3A_360 = arith.index_cast %add3A_357 : i32 to index
      %swap3A_361 = arith.constant 0 : index
      %swap3A_362 = tpu.vector_load %arg7[%swap3A_360, %swap3A_361] {strides = array<i32>} : memref<128x64xf32, #tpu.memory_space<vmem>>, vector<1x16xf32>,
      %swap3A_363 = vector.shape_cast %swap3A_362 : vector<1x16xf32> to vector<16xf32>
      %swap3A_364 = vector.shape_cast %mul3A_359 : vector<16xf32> to vector<1x16xf32>
      tpu.vector_store %arg7[%swap3A_360, %swap3A_361], %swap3A_364 {strides = array<i32>} : memref<128x64xf32, #tpu.memory_space<vmem>>, vector<1x16xf32>,
      %mul3A_365 = vector.broadcast %scan3A : f32 to vector<16xf32>
      %mul3A_366 = arith.mulf %scan3A_352#1, %mul3A_365 : vector<16xf32>
      %swap3A_367 = arith.index_cast %add3A_357 : i32 to index
      %swap3A_368 = arith.constant 16 : index
      %swap3A_369 = tpu.vector_load %arg7[%swap3A_367, %swap3A_368] {strides = array<i32>} : memref<128x64xf32, #tpu.memory_space<vmem>>, vector<1x16xf32>,
      %swap3A_370 = vector.shape_cast %swap3A_369 : vector<1x16xf32> to vector<16xf32>
      %swap3A_371 = vector.shape_cast %mul3A_366 : vector<16xf32> to vector<1x16xf32>
      tpu.vector_store %arg7[%swap3A_367, %swap3A_368], %swap3A_371 {strides = array<i32>} : memref<128x64xf32, #tpu.memory_space<vmem>>, vector<1x16xf32>,
      %mul3A_372 = vector.broadcast %scan3A : f32 to vector<16xf32>
      %mul3A_373 = arith.mulf %scan3A_352#2, %mul3A_372 : vector<16xf32>
      %swap3A_374 = arith.index_cast %add3A_357 : i32 to index
      %swap3A_375 = arith.constant 32 : index
      %swap3A_376 = tpu.vector_load %arg7[%swap3A_374, %swap3A_375] {strides = array<i32>} : memref<128x64xf32, #tpu.memory_space<vmem>>, vector<1x16xf32>,
      %swap3A_377 = vector.shape_cast %swap3A_376 : vector<1x16xf32> to vector<16xf32>
      %swap3A_378 = vector.shape_cast %mul3A_373 : vector<16xf32> to vector<1x16xf32>
      tpu.vector_store %arg7[%swap3A_374, %swap3A_375], %swap3A_378 {strides = array<i32>} : memref<128x64xf32, #tpu.memory_space<vmem>>, vector<1x16xf32>,
      %mul3A_379 = vector.broadcast %scan3A : f32 to vector<16xf32>
      %mul3A_380 = arith.mulf %scan3A_352#3, %mul3A_379 : vector<16xf32>
      %swap3A_381 = arith.index_cast %add3A_357 : i32 to index
      %swap3A_382 = arith.constant 48 : index
      %swap3A_383 = tpu.vector_load %arg7[%swap3A_381, %swap3A_382] {strides = array<i32>} : memref<128x64xf32, #tpu.memory_space<vmem>>, vector<1x16xf32>,
      %swap3A_384 = vector.shape_cast %swap3A_383 : vector<1x16xf32> to vector<16xf32>
      %swap3A_385 = vector.shape_cast %mul3A_380 : vector<16xf32> to vector<1x16xf32>
      tpu.vector_store %arg7[%swap3A_381, %swap3A_382], %swap3A_385 {strides = array<i32>} : memref<128x64xf32, #tpu.memory_space<vmem>>, vector<1x16xf32>,
      %add3A_386 = arith.constant 4 : i32
      %add3A_387 = arith.addi %add3A_281, %add3A_386 : i32
      %lt3A_388 = arith.constant 64 : i32
      %lt3A_389 = arith.cmpi slt, %add3A_387, %lt3A_388 : i32
      %convert_element_type3A_390 = arith.extui %lt3A_389 : i1 to i32
      %cond3A_391 = arith.constant 0 : i32
      %cond3A_392 = arith.cmpi ne, %convert_element_type3A_390, %cond3A_391 : i32
      scf.if %cond3A_392 {
        %dma_start3A_506 = arith.constant 2 : i32
        %dma_start3A_507 = arith.constant 0 : i32
        %dma_start3A_508 = arith.constant 0 : i32
        %dma_start3A_509 = tpu.memref_slice %arg6[%dma_start3A_506, %dma_start3A_507, %dma_start3A_508] : memref<4x100x64xf32, #tpu.memory_space<vmem>> -> memref<1x100x64xf32, #tpu.memory_space<vmem>>
        %dma_start3A_510 = tpu.memref_squeeze %dma_start3A_509 : memref<1x100x64xf32, #tpu.memory_space<vmem>> -> memref<100x64xf32, #tpu.memory_space<vmem>>
        %dma_start3A_511 = arith.constant 0 : i32
        %dma_start3A_512 = tpu.memref_slice %arg5[%add3A_387, %dma_start3A_511] : memref<64x100xi32, #tpu.memory_space<vmem>> -> memref<1x100xi32, #tpu.memory_space<vmem>>
        %dma_start3A_513 = tpu.memref_squeeze %dma_start3A_512 : memref<1x100xi32, #tpu.memory_space<vmem>> -> memref<100xi32, #tpu.memory_space<vmem>>
        %dma_start3A_514 = arith.constant 0 : i32
        %dma_start3A_515 = arith.constant 0 : i32
        %dma_start3A_516 = tpu.memref_slice %arg3[%dma_start3A_514, %dma_start3A_515] : memref<100000x64xf32, #tpu.memory_space<hbm>> -> memref<100000x64xf32, #tpu.memory_space<hbm>>
        tpu.enqueue_indirect_dma source(%dma_start3A_516 : memref<100000x64xf32, #tpu.memory_space<hbm>>) target(%dma_start3A_510 : memref<100x64xf32, #tpu.memory_space<vmem>>) offsets(%dma_start3A_513 : memref<100xi32, #tpu.memory_space<vmem>>) semaphore(%arg10 : memref<!tpu.dma_semaphore, #tpu.memory_space<semaphore_mem>>)
      } else {
      }
      %add3A_393 = arith.constant 3 : i32
      %add3A_394 = arith.addi %add3A_59, %add3A_393 : i32
      %dma_wait3A_395 = arith.constant 0 : i32
      %dma_wait3A_396 = arith.constant 3 : i32
      %dma_wait3A_397 = arith.constant 0 : i32
      %dma_wait3A_398 = arith.constant 0 : i32
      %dma_wait3A_399 = tpu.memref_slice %arg6[%dma_wait3A_396, %dma_wait3A_397, %dma_wait3A_398] : memref<4x100x64xf32, #tpu.memory_space<vmem>> -> memref<1x100x64xf32, #tpu.memory_space<vmem>>
      %dma_wait3A_400 = tpu.memref_squeeze %dma_wait3A_399 : memref<1x100x64xf32, #tpu.memory_space<vmem>> -> memref<100x64xf32, #tpu.memory_space<vmem>>
      %dma_wait3A_401 = arith.constant 0 : i32
      %dma_wait3A_402 = tpu.memref_slice %arg5[%dma_wait3A_395, %dma_wait3A_401] : memref<64x100xi32, #tpu.memory_space<vmem>> -> memref<1x100xi32, #tpu.memory_space<vmem>>
      %dma_wait3A_403 = tpu.memref_squeeze %dma_wait3A_402 : memref<1x100xi32, #tpu.memory_space<vmem>> -> memref<100xi32, #tpu.memory_space<vmem>>
      %dma_wait3A_404 = arith.constant 0 : i32
      %dma_wait3A_405 = arith.constant 0 : i32
      %dma_wait3A_406 = tpu.memref_slice %arg3[%dma_wait3A_404, %dma_wait3A_405] : memref<100000x64xf32, #tpu.memory_space<hbm>> -> memref<100000x64xf32, #tpu.memory_space<hbm>>
      tpu.wait_indirect_dma semaphore(%arg11 : memref<!tpu.dma_semaphore, #tpu.memory_space<semaphore_mem>>) src(%dma_wait3A_406 : memref<100000x64xf32, #tpu.memory_space<hbm>>) dst(%dma_wait3A_400 : memref<100x64xf32, #tpu.memory_space<vmem>>)
      %broadcast_in_dim3A_407 = arith.constant 0.000000e+00 : f32
      %broadcast_in_dim3A_408 = vector.broadcast %broadcast_in_dim3A_407 : f32 to vector<16xf32>
      %broadcast_in_dim3A_409 = arith.constant 0.000000e+00 : f32
      %broadcast_in_dim3A_410 = vector.broadcast %broadcast_in_dim3A_409 : f32 to vector<16xf32>
      %broadcast_in_dim3A_411 = arith.constant 0.000000e+00 : f32
      %broadcast_in_dim3A_412 = vector.broadcast %broadcast_in_dim3A_411 : f32 to vector<16xf32>
      %broadcast_in_dim3A_413 = arith.constant 0.000000e+00 : f32
      %broadcast_in_dim3A_414 = vector.broadcast %broadcast_in_dim3A_413 : f32 to vector<16xf32>
      %scan3A_415 = arith.constant 0 : i32
      %scan3A_416 = arith.constant 50 : i32
      %scan3A_417 = arith.addi %scan3A_415, %scan3A_416 : i32
      %scan3A_418 = arith.constant 1 : i32
      %scan3A_419:4 = scf.for %scan3A_506 = %scan3A_415 to %scan3A_417 step %scan3A_418 iter_args(%scan3A_507 = %broadcast_in_dim3A_408, %scan3A_508 = %broadcast_in_dim3A_410, %scan3A_509 = %broadcast_in_dim3A_412, %scan3A_510 = %broadcast_in_dim3A_414) -> (vector<16xf32>, vector<16xf32>, vector<16xf32>, vector<16xf32>)  : i32 {
        %add3A_511 = arith.constant 0 : i32
        %add3A_512 = arith.addi %add3A_511, %scan3A_506 : i32
        %get3A = arith.constant 3 : i32
        %get3A_513 = arith.index_cast %get3A : i32 to index
        %get3A_514 = arith.index_cast %add3A_512 : i32 to index
        %get3A_515 = arith.constant 0 : index
        %get3A_516 = tpu.vector_load %arg6[%get3A_513, %get3A_514, %get3A_515] {strides = array<i32>} : memref<4x100x64xf32, #tpu.memory_space<vmem>>, vector<1x1x16xf32>,
        %get3A_517 = vector.shape_cast %get3A_516 : vector<1x1x16xf32> to vector<16xf32>
        %add3A_518 = arith.addf %scan3A_507, %get3A_517 : vector<16xf32>
        %get3A_519 = arith.constant 3 : i32
        %get3A_520 = arith.index_cast %get3A_519 : i32 to index
        %get3A_521 = arith.index_cast %add3A_512 : i32 to index
        %get3A_522 = arith.constant 16 : index
        %get3A_523 = tpu.vector_load %arg6[%get3A_520, %get3A_521, %get3A_522] {strides = array<i32>} : memref<4x100x64xf32, #tpu.memory_space<vmem>>, vector<1x1x16xf32>,
        %get3A_524 = vector.shape_cast %get3A_523 : vector<1x1x16xf32> to vector<16xf32>
        %add3A_525 = arith.addf %scan3A_508, %get3A_524 : vector<16xf32>
        %get3A_526 = arith.constant 3 : i32
        %get3A_527 = arith.index_cast %get3A_526 : i32 to index
        %get3A_528 = arith.index_cast %add3A_512 : i32 to index
        %get3A_529 = arith.constant 32 : index
        %get3A_530 = tpu.vector_load %arg6[%get3A_527, %get3A_528, %get3A_529] {strides = array<i32>} : memref<4x100x64xf32, #tpu.memory_space<vmem>>, vector<1x1x16xf32>,
        %get3A_531 = vector.shape_cast %get3A_530 : vector<1x1x16xf32> to vector<16xf32>
        %add3A_532 = arith.addf %scan3A_509, %get3A_531 : vector<16xf32>
        %get3A_533 = arith.constant 3 : i32
        %get3A_534 = arith.index_cast %get3A_533 : i32 to index
        %get3A_535 = arith.index_cast %add3A_512 : i32 to index
        %get3A_536 = arith.constant 48 : index
        %get3A_537 = tpu.vector_load %arg6[%get3A_534, %get3A_535, %get3A_536] {strides = array<i32>} : memref<4x100x64xf32, #tpu.memory_space<vmem>>, vector<1x1x16xf32>,
        %get3A_538 = vector.shape_cast %get3A_537 : vector<1x1x16xf32> to vector<16xf32>
        %add3A_539 = arith.addf %scan3A_510, %get3A_538 : vector<16xf32>
        scf.yield %add3A_518, %add3A_525, %add3A_532, %add3A_539 : vector<16xf32>, vector<16xf32>, vector<16xf32>, vector<16xf32>
      }
      %scan3A_420 = arith.constant 50 : i32
      %mul3A_421 = arith.constant 2 : i32
      %mul3A_422 = arith.muli %add3A_394, %mul3A_421 : i32
      %add3A_423 = arith.constant 0 : i32
      %add3A_424 = arith.addi %mul3A_422, %add3A_423 : i32
      %mul3A_425 = vector.broadcast %scan3A : f32 to vector<16xf32>
      %mul3A_426 = arith.mulf %scan3A_419#0, %mul3A_425 : vector<16xf32>
      %swap3A_427 = arith.index_cast %add3A_424 : i32 to index
      %swap3A_428 = arith.constant 0 : index
      %swap3A_429 = tpu.vector_load %arg7[%swap3A_427, %swap3A_428] {strides = array<i32>} : memref<128x64xf32, #tpu.memory_space<vmem>>, vector<1x16xf32>,
      %swap3A_430 = vector.shape_cast %swap3A_429 : vector<1x16xf32> to vector<16xf32>
      %swap3A_431 = vector.shape_cast %mul3A_426 : vector<16xf32> to vector<1x16xf32>
      tpu.vector_store %arg7[%swap3A_427, %swap3A_428], %swap3A_431 {strides = array<i32>} : memref<128x64xf32, #tpu.memory_space<vmem>>, vector<1x16xf32>,
      %mul3A_432 = vector.broadcast %scan3A : f32 to vector<16xf32>
      %mul3A_433 = arith.mulf %scan3A_419#1, %mul3A_432 : vector<16xf32>
      %swap3A_434 = arith.index_cast %add3A_424 : i32 to index
      %swap3A_435 = arith.constant 16 : index
      %swap3A_436 = tpu.vector_load %arg7[%swap3A_434, %swap3A_435] {strides = array<i32>} : memref<128x64xf32, #tpu.memory_space<vmem>>, vector<1x16xf32>,
      %swap3A_437 = vector.shape_cast %swap3A_436 : vector<1x16xf32> to vector<16xf32>
      %swap3A_438 = vector.shape_cast %mul3A_433 : vector<16xf32> to vector<1x16xf32>
      tpu.vector_store %arg7[%swap3A_434, %swap3A_435], %swap3A_438 {strides = array<i32>} : memref<128x64xf32, #tpu.memory_space<vmem>>, vector<1x16xf32>,
      %mul3A_439 = vector.broadcast %scan3A : f32 to vector<16xf32>
      %mul3A_440 = arith.mulf %scan3A_419#2, %mul3A_439 : vector<16xf32>
      %swap3A_441 = arith.index_cast %add3A_424 : i32 to index
      %swap3A_442 = arith.constant 32 : index
      %swap3A_443 = tpu.vector_load %arg7[%swap3A_441, %swap3A_442] {strides = array<i32>} : memref<128x64xf32, #tpu.memory_space<vmem>>, vector<1x16xf32>,
      %swap3A_444 = vector.shape_cast %swap3A_443 : vector<1x16xf32> to vector<16xf32>
      %swap3A_445 = vector.shape_cast %mul3A_440 : vector<16xf32> to vector<1x16xf32>
      tpu.vector_store %arg7[%swap3A_441, %swap3A_442], %swap3A_445 {strides = array<i32>} : memref<128x64xf32, #tpu.memory_space<vmem>>, vector<1x16xf32>,
      %mul3A_446 = vector.broadcast %scan3A : f32 to vector<16xf32>
      %mul3A_447 = arith.mulf %scan3A_419#3, %mul3A_446 : vector<16xf32>
      %swap3A_448 = arith.index_cast %add3A_424 : i32 to index
      %swap3A_449 = arith.constant 48 : index
      %swap3A_450 = tpu.vector_load %arg7[%swap3A_448, %swap3A_449] {strides = array<i32>} : memref<128x64xf32, #tpu.memory_space<vmem>>, vector<1x16xf32>,
      %swap3A_451 = vector.shape_cast %swap3A_450 : vector<1x16xf32> to vector<16xf32>
      %swap3A_452 = vector.shape_cast %mul3A_447 : vector<16xf32> to vector<1x16xf32>
      tpu.vector_store %arg7[%swap3A_448, %swap3A_449], %swap3A_452 {strides = array<i32>} : memref<128x64xf32, #tpu.memory_space<vmem>>, vector<1x16xf32>,
      %broadcast_in_dim3A_453 = arith.constant 0.000000e+00 : f32
      %broadcast_in_dim3A_454 = vector.broadcast %broadcast_in_dim3A_453 : f32 to vector<16xf32>
      %broadcast_in_dim3A_455 = arith.constant 0.000000e+00 : f32
      %broadcast_in_dim3A_456 = vector.broadcast %broadcast_in_dim3A_455 : f32 to vector<16xf32>
      %broadcast_in_dim3A_457 = arith.constant 0.000000e+00 : f32
      %broadcast_in_dim3A_458 = vector.broadcast %broadcast_in_dim3A_457 : f32 to vector<16xf32>
      %broadcast_in_dim3A_459 = arith.constant 0.000000e+00 : f32
      %broadcast_in_dim3A_460 = vector.broadcast %broadcast_in_dim3A_459 : f32 to vector<16xf32>
      %scan3A_461 = arith.constant 0 : i32
      %scan3A_462 = arith.constant 50 : i32
      %scan3A_463 = arith.addi %scan3A_461, %scan3A_462 : i32
      %scan3A_464 = arith.constant 1 : i32
      %scan3A_465:4 = scf.for %scan3A_506 = %scan3A_461 to %scan3A_463 step %scan3A_464 iter_args(%scan3A_507 = %broadcast_in_dim3A_454, %scan3A_508 = %broadcast_in_dim3A_456, %scan3A_509 = %broadcast_in_dim3A_458, %scan3A_510 = %broadcast_in_dim3A_460) -> (vector<16xf32>, vector<16xf32>, vector<16xf32>, vector<16xf32>)  : i32 {
        %add3A_511 = arith.constant 50 : i32
        %add3A_512 = arith.addi %add3A_511, %scan3A_506 : i32
        %get3A = arith.constant 3 : i32
        %get3A_513 = arith.index_cast %get3A : i32 to index
        %get3A_514 = arith.index_cast %add3A_512 : i32 to index
        %get3A_515 = arith.constant 0 : index
        %get3A_516 = tpu.vector_load %arg6[%get3A_513, %get3A_514, %get3A_515] {strides = array<i32>} : memref<4x100x64xf32, #tpu.memory_space<vmem>>, vector<1x1x16xf32>,
        %get3A_517 = vector.shape_cast %get3A_516 : vector<1x1x16xf32> to vector<16xf32>
        %add3A_518 = arith.addf %scan3A_507, %get3A_517 : vector<16xf32>
        %get3A_519 = arith.constant 3 : i32
        %get3A_520 = arith.index_cast %get3A_519 : i32 to index
        %get3A_521 = arith.index_cast %add3A_512 : i32 to index
        %get3A_522 = arith.constant 16 : index
        %get3A_523 = tpu.vector_load %arg6[%get3A_520, %get3A_521, %get3A_522] {strides = array<i32>} : memref<4x100x64xf32, #tpu.memory_space<vmem>>, vector<1x1x16xf32>,
        %get3A_524 = vector.shape_cast %get3A_523 : vector<1x1x16xf32> to vector<16xf32>
        %add3A_525 = arith.addf %scan3A_508, %get3A_524 : vector<16xf32>
        %get3A_526 = arith.constant 3 : i32
        %get3A_527 = arith.index_cast %get3A_526 : i32 to index
        %get3A_528 = arith.index_cast %add3A_512 : i32 to index
        %get3A_529 = arith.constant 32 : index
        %get3A_530 = tpu.vector_load %arg6[%get3A_527, %get3A_528, %get3A_529] {strides = array<i32>} : memref<4x100x64xf32, #tpu.memory_space<vmem>>, vector<1x1x16xf32>,
        %get3A_531 = vector.shape_cast %get3A_530 : vector<1x1x16xf32> to vector<16xf32>
        %add3A_532 = arith.addf %scan3A_509, %get3A_531 : vector<16xf32>
        %get3A_533 = arith.constant 3 : i32
        %get3A_534 = arith.index_cast %get3A_533 : i32 to index
        %get3A_535 = arith.index_cast %add3A_512 : i32 to index
        %get3A_536 = arith.constant 48 : index
        %get3A_537 = tpu.vector_load %arg6[%get3A_534, %get3A_535, %get3A_536] {strides = array<i32>} : memref<4x100x64xf32, #tpu.memory_space<vmem>>, vector<1x1x16xf32>,
        %get3A_538 = vector.shape_cast %get3A_537 : vector<1x1x16xf32> to vector<16xf32>
        %add3A_539 = arith.addf %scan3A_510, %get3A_538 : vector<16xf32>
        scf.yield %add3A_518, %add3A_525, %add3A_532, %add3A_539 : vector<16xf32>, vector<16xf32>, vector<16xf32>, vector<16xf32>
      }
      %scan3A_466 = arith.constant 50 : i32
      %mul3A_467 = arith.constant 2 : i32
      %mul3A_468 = arith.muli %add3A_394, %mul3A_467 : i32
      %add3A_469 = arith.constant 1 : i32
      %add3A_470 = arith.addi %mul3A_468, %add3A_469 : i32
      %mul3A_471 = vector.broadcast %scan3A : f32 to vector<16xf32>
      %mul3A_472 = arith.mulf %scan3A_465#0, %mul3A_471 : vector<16xf32>
      %swap3A_473 = arith.index_cast %add3A_470 : i32 to index
      %swap3A_474 = arith.constant 0 : index
      %swap3A_475 = tpu.vector_load %arg7[%swap3A_473, %swap3A_474] {strides = array<i32>} : memref<128x64xf32, #tpu.memory_space<vmem>>, vector<1x16xf32>,
      %swap3A_476 = vector.shape_cast %swap3A_475 : vector<1x16xf32> to vector<16xf32>
      %swap3A_477 = vector.shape_cast %mul3A_472 : vector<16xf32> to vector<1x16xf32>
      tpu.vector_store %arg7[%swap3A_473, %swap3A_474], %swap3A_477 {strides = array<i32>} : memref<128x64xf32, #tpu.memory_space<vmem>>, vector<1x16xf32>,
      %mul3A_478 = vector.broadcast %scan3A : f32 to vector<16xf32>
      %mul3A_479 = arith.mulf %scan3A_465#1, %mul3A_478 : vector<16xf32>
      %swap3A_480 = arith.index_cast %add3A_470 : i32 to index
      %swap3A_481 = arith.constant 16 : index
      %swap3A_482 = tpu.vector_load %arg7[%swap3A_480, %swap3A_481] {strides = array<i32>} : memref<128x64xf32, #tpu.memory_space<vmem>>, vector<1x16xf32>,
      %swap3A_483 = vector.shape_cast %swap3A_482 : vector<1x16xf32> to vector<16xf32>
      %swap3A_484 = vector.shape_cast %mul3A_479 : vector<16xf32> to vector<1x16xf32>
      tpu.vector_store %arg7[%swap3A_480, %swap3A_481], %swap3A_484 {strides = array<i32>} : memref<128x64xf32, #tpu.memory_space<vmem>>, vector<1x16xf32>,
      %mul3A_485 = vector.broadcast %scan3A : f32 to vector<16xf32>
      %mul3A_486 = arith.mulf %scan3A_465#2, %mul3A_485 : vector<16xf32>
      %swap3A_487 = arith.index_cast %add3A_470 : i32 to index
      %swap3A_488 = arith.constant 32 : index
      %swap3A_489 = tpu.vector_load %arg7[%swap3A_487, %swap3A_488] {strides = array<i32>} : memref<128x64xf32, #tpu.memory_space<vmem>>, vector<1x16xf32>,
      %swap3A_490 = vector.shape_cast %swap3A_489 : vector<1x16xf32> to vector<16xf32>
      %swap3A_491 = vector.shape_cast %mul3A_486 : vector<16xf32> to vector<1x16xf32>
      tpu.vector_store %arg7[%swap3A_487, %swap3A_488], %swap3A_491 {strides = array<i32>} : memref<128x64xf32, #tpu.memory_space<vmem>>, vector<1x16xf32>,
      %mul3A_492 = vector.broadcast %scan3A : f32 to vector<16xf32>
      %mul3A_493 = arith.mulf %scan3A_465#3, %mul3A_492 : vector<16xf32>
      %swap3A_494 = arith.index_cast %add3A_470 : i32 to index
      %swap3A_495 = arith.constant 48 : index
      %swap3A_496 = tpu.vector_load %arg7[%swap3A_494, %swap3A_495] {strides = array<i32>} : memref<128x64xf32, #tpu.memory_space<vmem>>, vector<1x16xf32>,
      %swap3A_497 = vector.shape_cast %swap3A_496 : vector<1x16xf32> to vector<16xf32>
      %swap3A_498 = vector.shape_cast %mul3A_493 : vector<16xf32> to vector<1x16xf32>
      tpu.vector_store %arg7[%swap3A_494, %swap3A_495], %swap3A_498 {strides = array<i32>} : memref<128x64xf32, #tpu.memory_space<vmem>>, vector<1x16xf32>,
      %add3A_499 = arith.constant 4 : i32
      %add3A_500 = arith.addi %add3A_394, %add3A_499 : i32
      %lt3A_501 = arith.constant 64 : i32
      %lt3A_502 = arith.cmpi slt, %add3A_500, %lt3A_501 : i32
      %convert_element_type3A_503 = arith.extui %lt3A_502 : i1 to i32
      %cond3A_504 = arith.constant 0 : i32
      %cond3A_505 = arith.cmpi ne, %convert_element_type3A_503, %cond3A_504 : i32
      scf.if %cond3A_505 {
        %dma_start3A_506 = arith.constant 3 : i32
        %dma_start3A_507 = arith.constant 0 : i32
        %dma_start3A_508 = arith.constant 0 : i32
        %dma_start3A_509 = tpu.memref_slice %arg6[%dma_start3A_506, %dma_start3A_507, %dma_start3A_508] : memref<4x100x64xf32, #tpu.memory_space<vmem>> -> memref<1x100x64xf32, #tpu.memory_space<vmem>>
        %dma_start3A_510 = tpu.memref_squeeze %dma_start3A_509 : memref<1x100x64xf32, #tpu.memory_space<vmem>> -> memref<100x64xf32, #tpu.memory_space<vmem>>
        %dma_start3A_511 = arith.constant 0 : i32
        %dma_start3A_512 = tpu.memref_slice %arg5[%add3A_500, %dma_start3A_511] : memref<64x100xi32, #tpu.memory_space<vmem>> -> memref<1x100xi32, #tpu.memory_space<vmem>>
        %dma_start3A_513 = tpu.memref_squeeze %dma_start3A_512 : memref<1x100xi32, #tpu.memory_space<vmem>> -> memref<100xi32, #tpu.memory_space<vmem>>
        %dma_start3A_514 = arith.constant 0 : i32
        %dma_start3A_515 = arith.constant 0 : i32
        %dma_start3A_516 = tpu.memref_slice %arg3[%dma_start3A_514, %dma_start3A_515] : memref<100000x64xf32, #tpu.memory_space<hbm>> -> memref<100000x64xf32, #tpu.memory_space<hbm>>
        tpu.enqueue_indirect_dma source(%dma_start3A_516 : memref<100000x64xf32, #tpu.memory_space<hbm>>) target(%dma_start3A_510 : memref<100x64xf32, #tpu.memory_space<vmem>>) offsets(%dma_start3A_513 : memref<100xi32, #tpu.memory_space<vmem>>) semaphore(%arg11 : memref<!tpu.dma_semaphore, #tpu.memory_space<semaphore_mem>>)
      } else {
      }
    }
    %scan3A_52 = arith.constant 16 : i32
    %mul3A_53 = arith.constant 128 : i32
    %mul3A_54 = arith.muli %add3A, %mul3A_53 : i32
    "tpu.region"() ({
      %run_scoped3A = tpu.sem_alloc : memref<!tpu.dma_semaphore, #tpu.memory_space<semaphore_mem>>
      %dma_start3A_55 = arith.constant 0 : i32
      %dma_start3A_56 = tpu.memref_slice %arg4[%mul3A_54, %dma_start3A_55] : memref<4096x64xf32, #tpu.memory_space<hbm>> -> memref<128x64xf32, #tpu.memory_space<hbm>>
      %dma_start3A_57 = arith.constant 0 : i32
      %dma_start3A_58 = tpu.memref_slice %arg4[%mul3A_54, %dma_start3A_57] : memref<4096x64xf32, #tpu.memory_space<hbm>> -> memref<128x64xf32, #tpu.memory_space<hbm>>
      tpu.enqueue_dma source(%arg7 : memref<128x64xf32, #tpu.memory_space<vmem>>) target(%dma_start3A_58 : memref<128x64xf32, #tpu.memory_space<hbm>>) target_semaphore(%run_scoped3A : memref<!tpu.dma_semaphore, #tpu.memory_space<semaphore_mem>>)
      %dma_wait3A = arith.constant 0 : i32
      %dma_wait3A_59 = tpu.memref_slice %arg4[%mul3A_54, %dma_wait3A] : memref<4096x64xf32, #tpu.memory_space<hbm>> -> memref<128x64xf32, #tpu.memory_space<hbm>>
      %dma_wait3A_60 = arith.constant 0 : i32
      %dma_wait3A_61 = tpu.memref_slice %arg4[%mul3A_54, %dma_wait3A_60] : memref<4096x64xf32, #tpu.memory_space<hbm>> -> memref<128x64xf32, #tpu.memory_space<hbm>>
      tpu.wait_dma2 semaphore(%run_scoped3A : memref<!tpu.dma_semaphore, #tpu.memory_space<semaphore_mem>>) src(%arg7 : memref<128x64xf32, #tpu.memory_space<vmem>>) dst(%dma_wait3A_61 : memref<128x64xf32, #tpu.memory_space<hbm>>)
      tpu.yield
    }) : () -> ()
    return
  }
}

</mosaic_0001>

<sc_bundles>
// kernel: _pool.3.cloned.1.call-start
scs
__scs_entry_jumppad:
0x0: {  	(pc) =	sbr.rel $0x88, $3  }
0x1: {  	(tag) =	ssettag $0x0;
	lr =	simm.s32 $0x1  }
0x2: {  	[smem:$0x3F9F] =	sst lr;
	_ =	strace $0xD0000000  }
0x3: {  	_ = 	snop  }
0x4: {  	_ = 	snop  }
0x5: {  	_ = 	snop  }
0x6: {  	_ = 	snop  }
0x7: {  	_ = 	snop  }
__scs_overlays_trampoline_lowered:
0x8: {  	[smem:$0x3FAE] =	sst s0  }
0x9: {  	[smem:$0x3FAF] =	sst s1  }
0xa: {  	[smem:$0x3FB0] =	sst s2  }
0xb: {  	[smem:$0x3FB1] =	sst s3  }
0xc: {  	[smem:$0x3FB2] =	sst s4  }
0xd: {  	[smem:$0x3FB3] =	sst s5  }
0xe: {  	[smem:$0x3FB4] =	sst s6  }
0xf: {  	[smem:$0x3FB5] =	sst s7  }
0x10: {  	[smem:$0x3FB6] =	sst s8  }
0x11: {  	[smem:$0x3FB7] =	sst s9;
	s0 =	simm.s32 @!p0 $0x0  }
0x12: {  	s1 =	sld [smem:$0x3F9D];
	s0 =	simm.s32 @p0 $0x1  }
0x13: {  	[smem:$0x3FB8] =	sst s0;
	s0 =	simm.s32 @!p1 $0x0  }
0x14: {  	s2 =	sld [smem:$0x3F9C];
	s0 =	simm.s32 @p1 $0x1  }
0x15: {  	[smem:$0x3FB9] =	sst s0;
	s0 =	simm.s32 @!p2 $0x0  }
0x16: {  	s3 =	sld [smem:$0x3FDB];
	s0 =	simm.s32 @p2 $0x1  }
0x17: {  	s4 =	simm.s32 $0x1BF5;
	[smem:$0x3FBB] =	sst s0  }
0x18: {  	s0 =	sld [smem:$0x3F9E];
	_ =	swait.ge [sflag:s4], $0x0  }
0x19: {  	s7 =	sld [smem:$0x3F9F]  }
0x1a: {  	s8 =	sadd.s32 $0xFFFFE003, lr  }
0x1b: {  	s9 =	sadd.s32 $0xFFFFFEF7, lr;
	s5 =	simm.s32 $0xFFFFFFFF;
	p2 =	slt.u32 s8, $0xFFFFF086  }
0x1c: {  	p1 =	slt.u32 s9, $0xF7A;
	s5 =	simm.s32 @!p2 $0x0  }
0x1d: {  	s5 =	simm.s32 @p1 $0x1;
	p0 =	seq.s32 s7, s2  }
0x1e: {  	s7 =	smul.u32 @!p0 $0xF7A, s2;
	p2 =	seq.s32 @!p0 s5, $0x0  }
0x1f: {  	s9 =	smul.u32 $0xF7A, s1;
	s8 =	simm.s32 @!p0 $0x1BF5;
	p2 =	por !p2, p0  }
0x20: {  	[sflag:s8] =	ssyncset.s32 @!p0 $0xFFFFF086;
	s6 =	sadd.s32 @!p0 s3, s7;
	s7 =	simm.s32 @!p0 $0x108  }
0x21: {  	s3 =	sadd.s32 s3, s9;
	s6 =	sadd.s32 @!p0 $0x88, s6;
	s7 =	simm.s32 @p2 $0x1082  }
0x22: {  	[simem:s7], [sflag:s8] =	dma.local @!p0 [hbm:s6], $0xF7A  }
0x23: {  	s9 =	sor.u32 $0xD0000000, s2;
	s6 =	simm.s32 $0x108;
	_ =	swait.ge @!p0 [sflag:s8], $0x0  }
0x24: {  	s3 =	sadd.s32 $0x88, s3;
	s6 =	simm.s32 @!p1 $0x1082;
	[sflag:s4] =	ssyncset.s32 $0xFFFFF086  }
0x25: {  	[simem:s6], [sflag:s4] =	dma.local [hbm:s3], $0xF7A  }
0x26: {  	[smem:$0x3F9F] =	sst s1;
	(tag) =	ssettag s2;
	_ =	strace s9  }
0x27: {  	s1 =	sld [smem:$0x3FAF]  }
0x28: {  	s2 =	sld [smem:$0x3FB0]  }
0x29: {  	s4 =	sld [smem:$0x3FB2]  }
0x2a: {  	p0 =	seq.s32 s5, $0x0;
	s5 =	sld [smem:$0x3FB3]  }
0x2b: {  	s6 =	sld [smem:$0x3FB4]  }
0x2c: {  	s7 =	sld [smem:$0x3FB5]  }
0x2d: {  	s3 =	simm.s32 $0x108;
	s8 =	sld [smem:$0x3FB6]  }
0x2e: {  	s3 =	simm.s32 @!p0 $0x1082;
	s9 =	sld [smem:$0x3FB7]  }
0x2f: {  	lr =	sadd.s32 s0, s3;
	s0 =	sld [smem:$0x3FAE]  }
0x30: {  	s3 =	sld [smem:$0x3FB1]  }
0x31: {  	[smem:$0x3FBA] =	sst s10  }
0x32: {  	s10 =	sld [smem:$0x3FB8];
	_ =	sdelay $0x3  }
0x33: {  	p0 =	seq.s32 s10, $0x1;
	s10 =	sld [smem:$0x3FBA];
	_ =	sdelay $0x3  }
0x34: {  	[smem:$0x3FBA] =	sst s10  }
0x35: {  	s10 =	sld [smem:$0x3FB9];
	_ =	sdelay $0x3  }
0x36: {  	p1 =	seq.s32 s10, $0x1;
	s10 =	sld [smem:$0x3FBA];
	_ =	sdelay $0x3  }
0x37: {  	[smem:$0x3FBA] =	sst s10  }
0x38: {  	s10 =	sld [smem:$0x3FBB]  }
0x39: {  	_ = 	snop;
	(pc) =	sbr.ind lr, $3  }
0x3a: {  	_ = 	snop  }
0x3b: {  	_ = 	snop  }
0x3c: {  	p2 =	seq.s32 s10, $0x1;
	s10 =	sld [smem:$0x3FBA]  }
0x3d: {  	_ =	shalt  }
0x3e: {  	_ =	shalt  }
0x3f: {  	_ =	shalt  }
0x40: {  	_ =	shalt  }
0x41: {  	_ =	shalt  }
0x42: {  	_ =	shalt  }
0x43: {  	_ =	shalt  }
0x44: {  	_ =	shalt  }
0x45: {  	_ =	shalt  }
0x46: {  	_ =	shalt  }
0x47: {  	_ =	shalt  }
0x48: {  	_ =	shalt  }
0x49: {  	_ =	shalt  }
0x4a: {  	_ =	shalt  }
0x4b: {  	_ =	shalt  }
0x4c: {  	_ =	shalt  }
0x4d: {  	_ =	shalt  }
0x4e: {  	_ =	shalt  }
0x4f: {  	_ =	shalt  }
0x50: {  	_ =	shalt  }
0x51: {  	_ =	shalt  }
0x52: {  	_ =	shalt  }
0x53: {  	_ =	shalt  }
0x54: {  	_ =	shalt  }
0x55: {  	_ =	shalt  }
0x56: {  	_ =	shalt  }
0x57: {  	_ =	shalt  }
0x58: {  	_ =	shalt  }
0x59: {  	_ =	shalt  }
0x5a: {  	_ =	shalt  }
0x5b: {  	_ =	shalt  }
0x5c: {  	_ =	shalt  }
0x5d: {  	_ =	shalt  }
0x5e: {  	_ =	shalt  }
0x5f: {  	_ =	shalt  }
0x60: {  	_ =	shalt  }
0x61: {  	_ =	shalt  }
0x62: {  	_ =	shalt  }
0x63: {  	_ =	shalt  }
0x64: {  	_ =	shalt  }
0x65: {  	_ =	shalt  }
0x66: {  	_ =	shalt  }
0x67: {  	_ =	shalt  }
0x68: {  	_ =	shalt  }
0x69: {  	_ =	shalt  }
0x6a: {  	_ =	shalt  }
0x6b: {  	_ =	shalt  }
0x6c: {  	_ =	shalt  }
0x6d: {  	_ =	shalt  }
0x6e: {  	_ =	shalt  }
0x6f: {  	_ =	shalt  }
0x70: {  	_ =	shalt  }
0x71: {  	_ =	shalt  }
0x72: {  	_ =	shalt  }
0x73: {  	_ =	shalt  }
0x74: {  	_ =	shalt  }
0x75: {  	_ =	shalt  }
0x76: {  	_ =	shalt  }
0x77: {  	_ =	shalt  }
0x78: {  	_ =	shalt  }
0x79: {  	_ =	shalt  }
0x7a: {  	_ =	shalt  }
0x7b: {  	_ =	shalt  }
0x7c: {  	_ =	shalt  }
0x7d: {  	_ =	shalt  }
0x7e: {  	_ =	shalt  }
0x7f: {  	_ =	shalt  }
0x80: {  	_ =	shalt  }
0x81: {  	_ =	shalt  }
0x82: {  	_ =	shalt  }
0x83: {  	_ =	shalt  }
0x84: {  	_ =	shalt  }
0x85: {  	_ =	shalt  }
0x86: {  	_ =	shalt  }
0x87: {  	_ =	shalt  }
.Lfunc_end0:
.L_simem_size_0:
called_computation_lowered:
.L_overlay_start_0:
0x88: {  	s2 =	sld [smem:$0x3FD9]  }
0x89: {  	s3 =	sld [smem:$0x3FFE];
	_ =	sdelay $0x1  }
0x8a: {  	s1 =	srdreg.scid  }
0x8b: {  	s0 =	sand.u32 $0x1, s1  }
0x8c: {  	s17 =	sshll.u32 s0, $0xA;
	s2 =	sadd.s32 s3, s2  }
0x8d: {  	s2 =	sadd.s32 s2, s17  }
0x8e: {  	[smem:$0x3FC6] =	sst s2  }
0x8f: {  	_ = 	snop  }
0x90: {  	s2 =	sld [smem:$0x3FD0];
	(tm) =	ssettm $0x1  }
0x91: {  	s18 =	sld [smem:$0x3FFB];
	_ =	sdelay $0x3  }
0x92: {  	_ =	strace s18  }
0x93: {  	s3 =	sld [smem:$0x3FFC];
	_ =	sdelay $0x3  }
0x94: {  	_ =	strace s3  }
0x95: {  	s3 =	sld [smem:$0x3FFD];
	_ =	sdelay $0x3  }
0x96: {  	_ =	strace s3  }
0x97: {  	_ =	strace $0x8FFFFFFF  }
0x98: {  	s19 =	sld [smem:$0x3FDB];
	_ =	sdelay $0x1  }
0x99: {  	s4 =	simm.s32 $_scs_section_size  }
0x9a: {  	s5 =	simm.s32 $_size__tile_overlayer_lowered;
	s6 =	simm.s32 $_tile_overlayer_lowered  }
0x9b: {  	s22 =	simm.s32 $0x1BFF;
	s21 =	sshll.u32 s6, $0x1;
	s3 =	sadd.s32 s4, s19  }
0x9c: {  	s7 =	simm.s32 $0x0;
	s20 =	sshll.u32 s5, $0x1;
	s5 =	sadd.s32 s21, s3  }
0x9d: {  	[timem:s7], [sflag:s22] =	dma.local [hbm:s5], s20  }
0x9e: {  	_ =	swait.ge [sflag:s22], s20  }
0x9f: {  	s4 =	ssub.s32 $0x0, s20;
	[sflag:s22] =	ssyncset.done $0x0  }
0xa0: {  	[sflag:s22] =	ssyncadd.s32 s4;
	_ =	sdelay $0x1  }
0xa1: {  	s23 =	simm.s32 $0x1B8B  }
0xa2: {  	_ =	swait.ge [sflag:s23], $0x1  }
0xa3: {  	[sflag:s23] =	ssyncset.done $0x0  }
0xa4: {  	s25 =	simm.s32 $0x1B8E;
	s24 =	sld [smem:$0x3FFE];
	[sflag:s23] =	ssyncadd.s32 $0xFFFFFFFF  }
0xa5: {  	s26 =	simm.s32 $execute0_lowered;
	[smem:$0x3FD2] =	sst s25  }
0xa6: {  	s5 =	sshll.u32 s26, $0x1;
	_ =	strace $0x80000046;
	[dreg:$0x1] =	wrdreg $0xFFFFFFFF  }
0xa7: {  	s28 =	simm.s32 $_size_execute0_lowered;
	s3 =	sadd.s32 s3, s5;
	[dreg:$0x0] =	wrdreg $0x0  }
0xa8: {  	s5 =	sshll.u32 s28, $0x1;
	[dreg:$0x2] =	wrdreg s3  }
0xa9: {  	[dreg:$0x3] =	wrdreg s5  }
0xaa: {  	[dreg:$0x4] =	wrdreg $0xC0  }
0xab: {  	_ =	task [dreg:s7], $0x5FFFF  }
0xac: {  	[dreg:$0x1] =	wrdreg $0xFFFFFFFF  }
0xad: {  	[dreg:$0x0] =	wrdreg $0x60  }
0xae: {  	[dreg:$0x2] =	wrdreg s24  }
0xaf: {  	[dreg:$0x3] =	wrdreg s2  }
0xb0: {  	[dreg:$0x4] =	wrdreg $0x9  }
0xb1: {  	_ =	task.clear_ibuf [dreg:s7], $0x5FFFF;
	_ =	strace $0x90000046  }
0xb2: {  	s29 =	simm.s32 $0x9;
	_ =	strace $0x80000048  }
0xb3: {  	_ =	swait.ge [sflag:s29], $0x1  }
0xb4: {  	[sflag:s29] =	ssyncadd.s32 $0xFFFFFFFF  }
0xb5: {  	_ =	strace $0x90000048  }
0xb6: {  	_ =	sfence  }
0xb7: {  	s30 =	sld [smem:$0x0];
	_ =	sdelay $0x2  }
0xb8: {  	s31 =	sshll.u32 s1, $0xD;
	s1 =	sshrl.u32 s1, $0x2  }
0xb9: {  	s3 =	sand.u32 $0x4000, s31;
	s1 =	sadd.s32 s1, s30  }
0xba: {  	s0 =	sor.u32 s3, s0;
	s1 =	sshll.u32 s1, $0x11  }
0xbb: {  	s0 =	sor.u32 s1, s0  }
0xbc: {  	s0 =	sadd.s32 $0x8F2B, s0  }
0xbd: {  	[sflag:s0] =	ssyncadd.remote.s32 $0x1  }
0xbe: {  	_ =	sfence.sel $0xFFFF  }
0xbf: {  	[dreg:$0x0] =	wrdreg $0xFFFFFFFF;
	(pc) =	sbr.abs _section_cstart, $3  }
0xc0: {  	[dreg:$0x1] =	wrdreg $0xFFFFFFFF  }
0xc1: {  	_ =	task.clear_ibuf [dreg:s7], $0x2FFFF;
	_ =	strace $0x9FFFFFFF  }
0xc2: {  	(tm) =	ssettm $0x7FFFFFFF  }
0xc3: {  	_ =	shalt  }
tec
execute0_lowered:
.L_overlay_start_1:
0x0: {  	(tag) =	ssettag $0x1  }
0x1: {  	s1 =	srdreg.scid;
	s3 =	rddreg [dreg:$0x0]  }
0x2: {  	s0 =	stileid.u32;
	s5 =	rddreg [dreg:$0x1]  }
0x3: {  	s2 =	simm.s32 $0x0;
	s9 =	simm.s32 $0x1A00;
	s10 =	simm.s32 $0x68  }
0x4: {  	s11 =	simm.s32 $0x3300;
	s12 =	simm.s32 $0xD0;
	s13 =	simm.s32 $0x4C00  }
0x5: {  	s14 =	simm.s32 $0x138;
	s15 =	simm.s32 $0x6500;
	s16 =	simm.s32 $0x1  }
0x6: {  	s17 =	simm.s32 $0x2;
	s18 =	simm.s32 $0x3;
	s19 =	simm.s32 $0x4  }
0x7: {  	s20 =	simm.s32 $0x7E00;
	s4 =	sand.u32 $0x1, s1;
	s1 =	rddreg [dreg:$0x2]  }
0x8: {  	s21 =	simm.s32 $0x0;
	s31 =	sshll.u32 s0, $0x1;
	[smem:$0x7FF] =	sst s2  }
.Ltmp0:
0x9: {  	s6 =	sor.u32 s4, s31;
	s4 =	ssub.s32 $0x2, s4;
	(pc) =	sbr.rel .LBB2_1-.Ltmp0, $4  }
0xa: {  	s7 =	smul.u32 $0x340, s6;
	s8 =	sshrl.u32 s4, $0x1;
	s6 =	sshll.u32 s6, $0xA  }
0xb: {  	_ =	strace $0x80000047;
	s8 =	ssub.s32 s4, s8;
	s5 =	sadd.s32 s5, s6  }
0xc: {  	s7 =	sadd.s32 s7, s3;
	s3 =	sadd.s32 $0x187000, s3;
	s6 =	smax.u32 s8, $0x1  }
0xd: {  	s8 =	simm.s32 $0x64;
	s4 =	sadd.s32 $0x600, s7;
	s7 =	simm.s32 $0x5  }
.LBB2_20:
0xe: {  	s21 =	sadd.s32 $0x1, s21  }
0xf: {  	p0 =	sne.s32 s21, s6  }
.Ltmp1:
0x10: {  	_ = 	snop;
	(pc) =	sbr.rel @!p0 .LBB2_21-.Ltmp1, $4  }
0x11: {  	[hbm4b:s5+s2] =	stream.linear.scatter [tilespmem:s20], [sflag:$0x5], $0x2000, $0x38;
	[tilespmem:$0x9E00] =	vst v63  }
0x12: {  	_ =	swait.ge [sflag:s7], $0x2000  }
0x13: {  	[sflag:s7] =	ssyncset.done $0x0  }
0x14: {  	[sflag:s7] =	ssyncadd.s32 $0xFFFFE000  }
.LBB2_1:
0x15: {  	[tilespmem:s2], [sflag:$0x5] =	stream.linear.gather [hbm4b:s4+s2], $0x1A00, $0x38;
	[tilespmem:$0x9E00] =	vst v63  }
0x16: {  	_ =	swait.ge [sflag:s7], $0x1A00  }
0x17: {  	[sflag:s7] =	ssyncset.done $0x0  }
0x18: {  	[sflag:s7] =	ssyncadd.s32 $0xFFFFE600  }
0x19: {  	[tilespmem:s9], [sflag:$0x1] =	stream.indirect.gather [hbm4b:s3+s8], $0x40, s2, s8, $0xb8;
	[tilespmem:$0x9E00] =	vst v63  }
0x1a: {  	_ = 	snop  }
0x1b: {  	[tilespmem:s11], [sflag:$0x2] =	stream.indirect.gather [hbm4b:s3+s8], $0x40, s10, s8, $0xb8;
	[tilespmem:$0x9E00] =	vst v63  }
0x1c: {  	_ = 	snop  }
0x1d: {  	[tilespmem:s13], [sflag:$0x3] =	stream.indirect.gather [hbm4b:s3+s8], $0x40, s12, s8, $0xb8;
	[tilespmem:$0x9E00] =	vst v63  }
0x1e: {  	s22 =	simm.s32 $0x0  }
0x1f: {  	[tilespmem:s15], [sflag:$0x4] =	stream.indirect.gather [hbm4b:s3+s8], $0x40, s14, s8, $0xb8;
	[tilespmem:$0x9E00] =	vst v63  }
.LBB2_2:
0x20: {  	_ =	swait.ge [sflag:s16], $0x1900  }
0x21: {  	[sflag:s16] =	ssyncset.done $0x0  }
0x22: {  	s24 =	simm.s32 $0x0;
	[sflag:s16] =	ssyncadd.s32 $0xFFFFE700  }
0x23: {  	v1 =	vld [tilespmem:s24+$0x1A30]  }
0x24: {  	v2 =	vld [tilespmem:s24+$0x1A00]  }
0x25: {  	v0 =	vimm.f32 $0.0e+00;
	v3 =	vld [tilespmem:s24+$0x1A10]  }
0x26: {  	s23 =	simm.s32 $0x100;
	v5 =	vimm.f32 $0.0e+00;
	v6 =	vimm.f32 $0.0e+00;
	v7 =	vimm.f32 $0.0e+00;
	v4 =	vld [tilespmem:s24+$0x1A20]  }
.LBB2_3:
0x27: {  	p0 =	sne.s32 s23, $0x3100  }
.Ltmp2:
0x28: {  	s24 =	sshra.s32 s23, $0x2;
	s23 =	sadd.s32 $0x100, s23;
	v0 =	vadd.f32 v1, v0;
	(pc) =	sbr.rel @p0 .LBB2_3-.Ltmp2, $4  }
0x29: {  	v1 =	vld [tilespmem:s24+$0x1A30];
	v5 =	vadd.f32 v2, v5  }
0x2a: {  	v2 =	vld [tilespmem:s24+$0x1A00];
	v6 =	vadd.f32 v3, v6  }
0x2b: {  	v3 =	vld [tilespmem:s24+$0x1A10];
	v7 =	vadd.f32 v4, v7  }
0x2c: {  	v4 =	vld [tilespmem:s24+$0x1A20]  }
0x2d: {  	_ = 	snop  }
0x2e: {  	v0 =	vadd.f32 v1, v0  }
0x2f: {  	v2 =	vadd.f32 v2, v5  }
0x30: {  	s23 =	sshll.u32 s22, $0xB;
	v3 =	vadd.f32 v3, v6;
	v0 =	vmul.f32 $1.999999960e-02, v0  }
0x31: {  	s23 =	sshra.s32 s23, $0x2;
	v4 =	vadd.f32 v4, v7;
	v2 =	vmul.f32 $1.999999960e-02, v2  }
0x32: {  	v1 =	vmul.f32 $1.999999960e-02, v3;
	[tilespmem:s23+$0x7E30] =	vst v0  }
0x33: {  	[tilespmem:s23+$0x7E00] =	vst v2;
	v2 =	vmul.f32 $1.999999960e-02, v4  }
0x34: {  	[tilespmem:s23+$0x7E10] =	vst v1  }
0x35: {  	s25 =	simm.s32 $0x0;
	[tilespmem:s23+$0x7E20] =	vst v2  }
0x36: {  	v1 =	vld [tilespmem:s25+$0x26B0]  }
0x37: {  	v2 =	vld [tilespmem:s25+$0x2680]  }
0x38: {  	v5 =	vimm.f32 $0.0e+00;
	v3 =	vld [tilespmem:s25+$0x2690]  }
0x39: {  	s24 =	simm.s32 $0x100;
	v6 =	vimm.f32 $0.0e+00;
	v7 =	vimm.f32 $0.0e+00;
	v0 =	vimm.f32 $0.0e+00;
	v4 =	vld [tilespmem:s25+$0x26A0]  }
.LBB2_5:
0x3a: {  	p0 =	sne.s32 s24, $0x3100  }
.Ltmp3:
0x3b: {  	s25 =	sshra.s32 s24, $0x2;
	s24 =	sadd.s32 $0x100, s24;
	v0 =	vadd.f32 v1, v0;
	(pc) =	sbr.rel @p0 .LBB2_5-.Ltmp3, $4  }
0x3c: {  	v1 =	vld [tilespmem:s25+$0x26B0];
	v5 =	vadd.f32 v2, v5  }
0x3d: {  	v2 =	vld [tilespmem:s25+$0x2680];
	v6 =	vadd.f32 v3, v6  }
0x3e: {  	v3 =	vld [tilespmem:s25+$0x2690];
	v7 =	vadd.f32 v4, v7  }
0x3f: {  	v4 =	vld [tilespmem:s25+$0x26A0]  }
0x40: {  	_ = 	snop  }
0x41: {  	v0 =	vadd.f32 v1, v0  }
0x42: {  	v2 =	vadd.f32 v2, v5  }
0x43: {  	v3 =	vadd.f32 v3, v6;
	v0 =	vmul.f32 $1.999999960e-02, v0  }
0x44: {  	p0 =	seq.s32 s22, $0xF;
	v4 =	vadd.f32 v4, v7;
	v2 =	vmul.f32 $1.999999960e-02, v2  }
0x45: {  	s24 =	smul.u32 @!p0 $0x680, s22;
	v1 =	vmul.f32 $1.999999960e-02, v3;
	[tilespmem:s23+$0x7E70] =	vst v0  }
0x46: {  	[tilespmem:s23+$0x7E40] =	vst v2;
	v2 =	vmul.f32 $1.999999960e-02, v4  }
0x47: {  	s24 =	sshra.s32 @!p0 s24, $0x2;
	[tilespmem:s23+$0x7E50] =	vst v1  }
0x48: {  	s26 =	simm.s32 @!p0 $0x64;
	s28 =	simm.s32 @!p0 $0x1A00;
	s25 =	sadd.s32 @!p0 $0x1A0, s24;
	[tilespmem:s23+$0x7E60] =	vst v2  }
0x49: {  	[tilespmem:s28], [sflag:$0x1] =	stream.indirect.gather @!p0 [hbm4b:s3+s26], $0x40, s25, s26, $0xb8;
	[tilespmem:$0x9E00] =	vst v63  }
0x4a: {  	_ =	swait.ge [sflag:s17], $0x1900  }
0x4b: {  	[sflag:s17] =	ssyncset.done $0x0  }
0x4c: {  	s31 =	simm.s32 $0x0;
	[sflag:s17] =	ssyncadd.s32 $0xFFFFE700  }
0x4d: {  	v1 =	vld [tilespmem:s31+$0x3330]  }
0x4e: {  	v2 =	vld [tilespmem:s31+$0x3300]  }
0x4f: {  	v5 =	vimm.f32 $0.0e+00;
	v3 =	vld [tilespmem:s31+$0x3310]  }
0x50: {  	v6 =	vimm.f32 $0.0e+00;
	v7 =	vimm.f32 $0.0e+00;
	v0 =	vimm.f32 $0.0e+00;
	s25 =	simm.s32 $0x100;
	v4 =	vld [tilespmem:s31+$0x3320]  }
.LBB2_7:
0x51: {  	p1 =	sne.s32 s25, $0x3100  }
.Ltmp4:
0x52: {  	s26 =	sshra.s32 s25, $0x2;
	s25 =	sadd.s32 $0x100, s25;
	v0 =	vadd.f32 v1, v0;
	(pc) =	sbr.rel @p1 .LBB2_7-.Ltmp4, $4  }
0x53: {  	v1 =	vld [tilespmem:s26+$0x3330];
	v5 =	vadd.f32 v2, v5  }
0x54: {  	v2 =	vld [tilespmem:s26+$0x3300];
	v6 =	vadd.f32 v3, v6  }
0x55: {  	v3 =	vld [tilespmem:s26+$0x3310];
	v7 =	vadd.f32 v4, v7  }
0x56: {  	v4 =	vld [tilespmem:s26+$0x3320]  }
0x57: {  	_ = 	snop  }
0x58: {  	v0 =	vadd.f32 v1, v0  }
0x59: {  	v2 =	vadd.f32 v2, v5  }
0x5a: {  	v3 =	vadd.f32 v3, v6;
	v0 =	vmul.f32 $1.999999960e-02, v0  }
0x5b: {  	v4 =	vadd.f32 v4, v7;
	v2 =	vmul.f32 $1.999999960e-02, v2  }
0x5c: {  	v1 =	vmul.f32 $1.999999960e-02, v3;
	[tilespmem:s23+$0x7EB0] =	vst v0  }
0x5d: {  	[tilespmem:s23+$0x7E80] =	vst v2;
	v2 =	vmul.f32 $1.999999960e-02, v4  }
0x5e: {  	[tilespmem:s23+$0x7E90] =	vst v1  }
0x5f: {  	s26 =	simm.s32 $0x0;
	[tilespmem:s23+$0x7EA0] =	vst v2  }
0x60: {  	v1 =	vld [tilespmem:s26+$0x3FB0]  }
0x61: {  	v2 =	vld [tilespmem:s26+$0x3F80]  }
0x62: {  	v5 =	vimm.f32 $0.0e+00;
	v3 =	vld [tilespmem:s26+$0x3F90]  }
0x63: {  	s25 =	simm.s32 $0x100;
	v6 =	vimm.f32 $0.0e+00;
	v7 =	vimm.f32 $0.0e+00;
	v0 =	vimm.f32 $0.0e+00;
	v4 =	vld [tilespmem:s26+$0x3FA0]  }
.LBB2_9:
0x64: {  	p1 =	sne.s32 s25, $0x3100  }
.Ltmp5:
0x65: {  	s26 =	sshra.s32 s25, $0x2;
	s25 =	sadd.s32 $0x100, s25;
	v0 =	vadd.f32 v1, v0;
	(pc) =	sbr.rel @p1 .LBB2_9-.Ltmp5, $4  }
0x66: {  	v1 =	vld [tilespmem:s26+$0x3FB0];
	v5 =	vadd.f32 v2, v5  }
0x67: {  	v2 =	vld [tilespmem:s26+$0x3F80];
	v6 =	vadd.f32 v3, v6  }
0x68: {  	v3 =	vld [tilespmem:s26+$0x3F90];
	v7 =	vadd.f32 v4, v7  }
0x69: {  	v4 =	vld [tilespmem:s26+$0x3FA0]  }
0x6a: {  	_ = 	snop  }
0x6b: {  	v0 =	vadd.f32 v1, v0  }
0x6c: {  	v2 =	vadd.f32 v2, v5  }
0x6d: {  	v3 =	vadd.f32 v3, v6;
	v0 =	vmul.f32 $1.999999960e-02, v0  }
0x6e: {  	v4 =	vadd.f32 v4, v7;
	v2 =	vmul.f32 $1.999999960e-02, v2  }
0x6f: {  	v1 =	vmul.f32 $1.999999960e-02, v3;
	[tilespmem:s23+$0x7EF0] =	vst v0  }
0x70: {  	[tilespmem:s23+$0x7EC0] =	vst v2;
	v2 =	vmul.f32 $1.999999960e-02, v4  }
0x71: {  	[tilespmem:s23+$0x7ED0] =	vst v1  }
0x72: {  	s25 =	sadd.s32 @!p0 $0x208, s24;
	s26 =	simm.s32 @!p0 $0x64;
	s28 =	simm.s32 @!p0 $0x3300;
	[tilespmem:s23+$0x7EE0] =	vst v2  }
0x73: {  	[tilespmem:s28], [sflag:$0x2] =	stream.indirect.gather @!p0 [hbm4b:s3+s26], $0x40, s25, s26, $0xb8;
	[tilespmem:$0x9E00] =	vst v63  }
0x74: {  	_ =	swait.ge [sflag:s18], $0x1900  }
0x75: {  	[sflag:s18] =	ssyncset.done $0x0  }
0x76: {  	s31 =	simm.s32 $0x0;
	[sflag:s18] =	ssyncadd.s32 $0xFFFFE700  }
0x77: {  	v1 =	vld [tilespmem:s31+$0x4C30]  }
0x78: {  	v2 =	vld [tilespmem:s31+$0x4C00]  }
0x79: {  	v5 =	vimm.f32 $0.0e+00;
	v3 =	vld [tilespmem:s31+$0x4C10]  }
0x7a: {  	v6 =	vimm.f32 $0.0e+00;
	v7 =	vimm.f32 $0.0e+00;
	v0 =	vimm.f32 $0.0e+00;
	s25 =	simm.s32 $0x100;
	v4 =	vld [tilespmem:s31+$0x4C20]  }
.LBB2_11:
0x7b: {  	p1 =	sne.s32 s25, $0x3100  }
.Ltmp6:
0x7c: {  	s26 =	sshra.s32 s25, $0x2;
	s25 =	sadd.s32 $0x100, s25;
	v0 =	vadd.f32 v1, v0;
	(pc) =	sbr.rel @p1 .LBB2_11-.Ltmp6, $4  }
0x7d: {  	v1 =	vld [tilespmem:s26+$0x4C30];
	v5 =	vadd.f32 v2, v5  }
0x7e: {  	v2 =	vld [tilespmem:s26+$0x4C00];
	v6 =	vadd.f32 v3, v6  }
0x7f: {  	v3 =	vld [tilespmem:s26+$0x4C10];
	v7 =	vadd.f32 v4, v7  }
0x80: {  	v4 =	vld [tilespmem:s26+$0x4C20]  }
0x81: {  	_ = 	snop  }
0x82: {  	v0 =	vadd.f32 v1, v0  }
0x83: {  	v2 =	vadd.f32 v2, v5  }
0x84: {  	v3 =	vadd.f32 v3, v6;
	v0 =	vmul.f32 $1.999999960e-02, v0  }
0x85: {  	v4 =	vadd.f32 v4, v7;
	v2 =	vmul.f32 $1.999999960e-02, v2  }
0x86: {  	v1 =	vmul.f32 $1.999999960e-02, v3;
	[tilespmem:s23+$0x7F30] =	vst v0  }
0x87: {  	[tilespmem:s23+$0x7F00] =	vst v2;
	v2 =	vmul.f32 $1.999999960e-02, v4  }
0x88: {  	[tilespmem:s23+$0x7F10] =	vst v1  }
0x89: {  	s26 =	simm.s32 $0x0;
	[tilespmem:s23+$0x7F20] =	vst v2  }
0x8a: {  	v1 =	vld [tilespmem:s26+$0x58B0]  }
0x8b: {  	v2 =	vld [tilespmem:s26+$0x5880]  }
0x8c: {  	v5 =	vimm.f32 $0.0e+00;
	v3 =	vld [tilespmem:s26+$0x5890]  }
0x8d: {  	s25 =	simm.s32 $0x100;
	v6 =	vimm.f32 $0.0e+00;
	v7 =	vimm.f32 $0.0e+00;
	v0 =	vimm.f32 $0.0e+00;
	v4 =	vld [tilespmem:s26+$0x58A0]  }
.LBB2_13:
0x8e: {  	p1 =	sne.s32 s25, $0x3100  }
.Ltmp7:
0x8f: {  	s26 =	sshra.s32 s25, $0x2;
	s25 =	sadd.s32 $0x100, s25;
	v0 =	vadd.f32 v1, v0;
	(pc) =	sbr.rel @p1 .LBB2_13-.Ltmp7, $4  }
0x90: {  	v1 =	vld [tilespmem:s26+$0x58B0];
	v5 =	vadd.f32 v2, v5  }
0x91: {  	v2 =	vld [tilespmem:s26+$0x5880];
	v6 =	vadd.f32 v3, v6  }
0x92: {  	v3 =	vld [tilespmem:s26+$0x5890];
	v7 =	vadd.f32 v4, v7  }
0x93: {  	v4 =	vld [tilespmem:s26+$0x58A0]  }
0x94: {  	_ = 	snop  }
0x95: {  	v0 =	vadd.f32 v1, v0  }
0x96: {  	v2 =	vadd.f32 v2, v5  }
0x97: {  	v3 =	vadd.f32 v3, v6;
	v0 =	vmul.f32 $1.999999960e-02, v0  }
0x98: {  	v4 =	vadd.f32 v4, v7;
	v2 =	vmul.f32 $1.999999960e-02, v2  }
0x99: {  	v1 =	vmul.f32 $1.999999960e-02, v3;
	[tilespmem:s23+$0x7F70] =	vst v0  }
0x9a: {  	[tilespmem:s23+$0x7F40] =	vst v2;
	v2 =	vmul.f32 $1.999999960e-02, v4  }
0x9b: {  	[tilespmem:s23+$0x7F50] =	vst v1  }
0x9c: {  	s24 =	sadd.s32 @!p0 $0x270, s24;
	s25 =	simm.s32 @!p0 $0x64;
	s26 =	simm.s32 @!p0 $0x4C00;
	[tilespmem:s23+$0x7F60] =	vst v2  }
0x9d: {  	[tilespmem:s26], [sflag:$0x3] =	stream.indirect.gather @!p0 [hbm4b:s3+s25], $0x40, s24, s25, $0xb8;
	[tilespmem:$0x9E00] =	vst v63  }
0x9e: {  	_ =	swait.ge [sflag:s19], $0x1900  }
0x9f: {  	[sflag:s19] =	ssyncset.done $0x0  }
0xa0: {  	s31 =	simm.s32 $0x0;
	[sflag:s19] =	ssyncadd.s32 $0xFFFFE700  }
0xa1: {  	v1 =	vld [tilespmem:s31+$0x6530]  }
0xa2: {  	v2 =	vld [tilespmem:s31+$0x6500]  }
0xa3: {  	v5 =	vimm.f32 $0.0e+00;
	v3 =	vld [tilespmem:s31+$0x6510]  }
0xa4: {  	v6 =	vimm.f32 $0.0e+00;
	v7 =	vimm.f32 $0.0e+00;
	v0 =	vimm.f32 $0.0e+00;
	s24 =	simm.s32 $0x100;
	v4 =	vld [tilespmem:s31+$0x6520]  }
.LBB2_15:
0xa5: {  	p1 =	sne.s32 s24, $0x3100  }
.Ltmp8:
0xa6: {  	s25 =	sshra.s32 s24, $0x2;
	s24 =	sadd.s32 $0x100, s24;
	v0 =	vadd.f32 v1, v0;
	(pc) =	sbr.rel @p1 .LBB2_15-.Ltmp8, $4  }
0xa7: {  	v1 =	vld [tilespmem:s25+$0x6530];
	v5 =	vadd.f32 v2, v5  }
0xa8: {  	v2 =	vld [tilespmem:s25+$0x6500];
	v6 =	vadd.f32 v3, v6  }
0xa9: {  	v3 =	vld [tilespmem:s25+$0x6510];
	v7 =	vadd.f32 v4, v7  }
0xaa: {  	v4 =	vld [tilespmem:s25+$0x6520]  }
0xab: {  	_ = 	snop  }
0xac: {  	v0 =	vadd.f32 v1, v0  }
0xad: {  	v2 =	vadd.f32 v2, v5  }
0xae: {  	v3 =	vadd.f32 v3, v6;
	v0 =	vmul.f32 $1.999999960e-02, v0  }
0xaf: {  	v4 =	vadd.f32 v4, v7;
	v2 =	vmul.f32 $1.999999960e-02, v2  }
0xb0: {  	v1 =	vmul.f32 $1.999999960e-02, v3;
	[tilespmem:s23+$0x7FB0] =	vst v0  }
0xb1: {  	[tilespmem:s23+$0x7F80] =	vst v2;
	v2 =	vmul.f32 $1.999999960e-02, v4  }
0xb2: {  	[tilespmem:s23+$0x7F90] =	vst v1  }
0xb3: {  	s25 =	simm.s32 $0x0;
	[tilespmem:s23+$0x7FA0] =	vst v2  }
0xb4: {  	v1 =	vld [tilespmem:s25+$0x71B0]  }
0xb5: {  	v2 =	vld [tilespmem:s25+$0x7180]  }
0xb6: {  	v5 =	vimm.f32 $0.0e+00;
	v3 =	vld [tilespmem:s25+$0x7190]  }
0xb7: {  	s24 =	simm.s32 $0x100;
	v6 =	vimm.f32 $0.0e+00;
	v7 =	vimm.f32 $0.0e+00;
	v0 =	vimm.f32 $0.0e+00;
	v4 =	vld [tilespmem:s25+$0x71A0]  }
.LBB2_17:
0xb8: {  	p1 =	sne.s32 s24, $0x3100  }
.Ltmp9:
0xb9: {  	s25 =	sshra.s32 s24, $0x2;
	s24 =	sadd.s32 $0x100, s24;
	v0 =	vadd.f32 v1, v0;
	(pc) =	sbr.rel @p1 .LBB2_17-.Ltmp9, $4  }
0xba: {  	v1 =	vld [tilespmem:s25+$0x71B0];
	v5 =	vadd.f32 v2, v5  }
0xbb: {  	v2 =	vld [tilespmem:s25+$0x7180];
	v6 =	vadd.f32 v3, v6  }
0xbc: {  	v3 =	vld [tilespmem:s25+$0x7190];
	v7 =	vadd.f32 v4, v7  }
0xbd: {  	v4 =	vld [tilespmem:s25+$0x71A0]  }
0xbe: {  	_ = 	snop  }
0xbf: {  	v0 =	vadd.f32 v1, v0  }
0xc0: {  	v2 =	vadd.f32 v2, v5  }
0xc1: {  	v3 =	vadd.f32 v3, v6;
	v0 =	vmul.f32 $1.999999960e-02, v0  }
.Ltmp10:
0xc2: {  	v4 =	vadd.f32 v4, v7;
	v2 =	vmul.f32 $1.999999960e-02, v2;
	(pc) =	sbr.rel @p0 .LBB2_20-.Ltmp10, $4  }
0xc3: {  	v62 =	vmul.f32 $1.999999960e-02, v3;
	[tilespmem:s23+$0x7FF0] =	vst v0  }
0xc4: {  	[tilespmem:s23+$0x7FC0] =	vst v2;
	v63 =	vmul.f32 $1.999999960e-02, v4  }
0xc5: {  	[tilespmem:s23+$0x7FD0] =	vst v62  }
0xc6: {  	[tilespmem:s23+$0x7FE0] =	vst v63  }
0xc7: {  	s23 =	smul.u32 $0x680, s22  }
.Ltmp11:
0xc8: {  	_ = 	snop;
	(pc) =	sbr.rel .LBB2_2-.Ltmp11, $4  }
0xc9: {  	_ = 	snop  }
0xca: {  	s23 =	sshra.s32 s23, $0x2  }
0xcb: {  	s22 =	sadd.s32 $0x1, s22;
	s23 =	sadd.s32 $0x2D8, s23  }
0xcc: {  	[tilespmem:s15], [sflag:$0x4] =	stream.indirect.gather [hbm4b:s3+s8], $0x40, s23, s8, $0xb8;
	[tilespmem:$0x9E00] =	vst v63  }
.LBB2_21:
0xcd: {  	_ =	sfence.sel $0x180000  }
0xce: {  	[bflag:$0x0] =	sbarrier.arrive $0xFFFF  }
0xcf: {  	p0 =	sne.s32 s0, $0x0;
	_ =	strace $0x90000047  }
0xd0: {  	s0 =	sadd.s32 @!p0 $0x100000, s1;
	[bflag:$0x2] =	sbarrier.arrive $0xFFFF  }
0xd1: {  	[sflag:s0] =	ssyncadd.tile.s32 @!p0 $0x1;
	_ =	shalt  }
.Lfunc_end2:
_tile_overlayer_lowered:
.L_overlay_start_2:
0xd2: {  	(tag) =	ssettag $0x2  }
0xd3: {  	s0 =	rddreg [dreg:$0x0];
	s2 =	stileid.u32  }
0xd4: {  	s1 =	rddreg [dreg:$0x1];
	p0 =	sne.s32 s2, $0x0  }
0xd5: {  	s3 =	rddreg [dreg:$0x2];
	[bflag:$0x3] =	sbarrier.arrive $0xFFFF;
	s2 =	simm.s32 @!p0 $0x1C05  }
0xd6: {  	[timem:s3], [sflag:s2] =	dma.local @!p0 [hbm:s0], s1  }
0xd7: {  	s0 =	simm.s32 @!p0 $0x5  }
0xd8: {  	_ =	swait.ge @!p0 [sflag:s0], s1  }
0xd9: {  	s1 =	ssub.s32 @!p0 $0x0, s1;
	[sflag:s0] =	ssyncset.done @!p0 $0x0  }
0xda: {  	[sflag:s0] =	ssyncadd.s32 @!p0 s1  }
0xdb: {  	[bflag:$0x3] =	sbarrier.arrive $0xFFFF  }
0xdc: {  	_ =	shalt  }

</sc_bundles>
